<compile_context>
chip_gen: v7x
topology: tpu7x:2x2x1
jax: 0.10.2.dev20260603
libtpu: 0.0.44.dev20260713+nightly
codegen_flags: <defaults>
</compile_context>

<pallas_src>
import functools

import jax
import jax.numpy as jnp
from jax import lax
from jax.experimental import pallas as pl
from jax.experimental.pallas import tpu as pltpu
from jax.experimental.pallas import tpu_sc as plsc

_B = 1024
_KD = 768
_POOL = 8192
_PLEN = 16
_ED = 768
_K = 4
_KN = 512
_NJ = _POOL // _KN


def _normalize(x):
    ssq = jnp.sum(x * x, axis=-1, keepdims=True)
    return x * lax.rsqrt(jnp.maximum(ssq, 1e-12))


_BIG = 2**30


def _split3(a):
    a1 = a.astype(jnp.bfloat16)
    r1 = a - a1.astype(jnp.float32)
    a2 = r1.astype(jnp.bfloat16)
    a3 = (r1 - a2.astype(jnp.float32)).astype(jnp.bfloat16)
    return a1, a2, a3


def _score_topk_body(x_ref, k_ref, out_ref, x1_ref, x2_ref, x3_ref,
                     bv_ref, bi_ref):
    j = pl.program_id(0)

    @pl.when(j == 0)
    def _():
        x1, x2, x3 = _split3(_normalize(x_ref[...]))
        x1_ref[...] = x1
        x2_ref[...] = x2
        x3_ref[...] = x3

    kn = _normalize(k_ref[...])
    dims = (((1,), (1,)), ((), ()))

    def _dot(a, b):
        return lax.dot_general(a, b, dims,
                               preferred_element_type=jnp.float32)

    k1, k2, k3 = _split3(kn)
    x1, x2, x3 = x1_ref[...], x2_ref[...], x3_ref[...]
    s = -(_dot(k1, x1) + (_dot(k1, x2) + _dot(k2, x1))
          + (_dot(k1, x3) + _dot(k2, x2) + _dot(k3, x1)))
    iota = lax.broadcasted_iota(jnp.int32, (_KN, _B), 0) + j * _KN
    bv, bi = [], []
    for r in range(_K):
        m = jnp.max(s, axis=0, keepdims=True)
        idx_r = jnp.min(jnp.where(s == m, iota, _BIG), axis=0, keepdims=True)
        bv.append(m)
        bi.append(idx_r)
        if r < _K - 1:
            s = jnp.where(iota == idx_r, -jnp.inf, s)
    pad_v = jnp.full((_K, _B), -jnp.inf, jnp.float32)
    pad_i = jnp.full((_K, _B), _BIG, jnp.int32)
    bv_ref[j] = jnp.concatenate([jnp.concatenate(bv, axis=0), pad_v], axis=0)
    bi_ref[j] = jnp.concatenate([jnp.concatenate(bi, axis=0), pad_i], axis=0)

    @pl.when(j == _NJ - 1)
    def _():
        cand_v = bv_ref[...].reshape(_NJ * 2 * _K, _B)
        cand_i = bi_ref[...].reshape(_NJ * 2 * _K, _B)
        half = []
        for r in range(_K):
            m = jnp.max(cand_v, axis=0, keepdims=True)
            sel = jnp.min(jnp.where(cand_v == m, cand_i, _BIG), axis=0,
                          keepdims=True)
            if r < _K - 1:
                cand_v = jnp.where(cand_i == sel, -jnp.inf, cand_v)
            half.append(2 * sel)
            half.append(2 * sel + 1)
        out_ref[...] = jnp.concatenate(half, axis=0)


def _score_topk(inputs, prompt_keys):
    return pl.pallas_call(
        _score_topk_body,
        grid=(_NJ,),
        in_specs=[
            pl.BlockSpec((_B, _KD), lambda j: (0, 0)),
            pl.BlockSpec((_KN, _KD), lambda j: (j, 0)),
        ],
        out_specs=pl.BlockSpec((2 * _K, _B), lambda j: (0, 0)),
        out_shape=jax.ShapeDtypeStruct((2 * _K, _B), jnp.int32),
        scratch_shapes=[
            pltpu.VMEM((_B, _KD), jnp.bfloat16),
            pltpu.VMEM((_B, _KD), jnp.bfloat16),
            pltpu.VMEM((_B, _KD), jnp.bfloat16),
            pltpu.VMEM((_NJ, 2 * _K, _B), jnp.float32),
            pltpu.VMEM((_NJ, 2 * _K, _B), jnp.int32),
        ],
        compiler_params=pltpu.CompilerParams(
            dimension_semantics=("arbitrary",),
        ),
    )(inputs, prompt_keys)


def _sc_gather(table, flat_idx):
    info = plsc.get_sparse_core_info()
    nc, ns = info.num_cores, info.num_subcores
    nw = nc * ns
    rows, sl, d = flat_idx.shape[0], table.shape[1], table.shape[2]
    rpw = rows // nw
    chunk = 8
    nchunks = rpw // chunk

    mesh = plsc.VectorSubcoreMesh(core_axis_name="c", subcore_axis_name="s")

    @functools.partial(
        pl.kernel,
        mesh=mesh,
        out_type=jax.ShapeDtypeStruct((rows, sl, d), jnp.float32),
        scratch_types=[
            pltpu.VMEM((nchunks, chunk), jnp.int32),
            pltpu.VMEM((chunk, sl, d), jnp.float32),
            pltpu.VMEM((chunk, sl, d), jnp.float32),
            pltpu.SemaphoreType.DMA,
            pltpu.SemaphoreType.DMA,
            pltpu.SemaphoreType.DMA,
            pltpu.SemaphoreType.DMA,
        ],
    )
    def gather_kernel(table_hbm, idx_hbm, out_hbm,
                      idx_v, buf0, buf1, g0, g1, s0, s1):
        wid = lax.axis_index("s") * nc + lax.axis_index("c")
        base = wid * rpw
        buf_v = (buf0, buf1)
        gsem = (g0, g1)
        ssem = (s0, s1)

        pltpu.sync_copy(idx_hbm.at[pl.ds(wid * nchunks, nchunks)], idx_v)

        def start_gather(c, s):
            return pltpu.async_copy(table_hbm.at[idx_v.at[c]], buf_v[s],
                                    gsem[s])

        gathers = [None, None]
        scatters = [None, None]
        gathers[0] = start_gather(0, 0)
        for c in range(nchunks):
            s = c & 1
            o = 1 - s
            if c + 1 < nchunks:
                if scatters[o] is not None:
                    scatters[o].wait()
                    scatters[o] = None
                gathers[o] = start_gather(c + 1, o)
            gathers[s].wait()
            off = base + c * chunk
            scatters[s] = pltpu.async_copy(
                buf_v[s], out_hbm.at[pl.ds(off, chunk)], ssem[s])
        for h in scatters:
            if h is not None:
                h.wait()

    return gather_kernel(table, flat_idx.reshape(rows // chunk, chunk))


def kernel(inputs, prompt_keys, prompt_values):
    half_idx = _score_topk(inputs, prompt_keys)
    table = prompt_values.reshape(_POOL * 2, _PLEN // 2, _ED)
    flat_idx = half_idx.T.reshape(_B * _K * 2)
    out = _sc_gather(table, flat_idx)
    return out.reshape(_B, _K, _PLEN, _ED)

# --- scband reference (transcript-rebuilt; emitter-appended) ---
"""Pipeline reference for scband-soft-prompts-57896159150557 (READ-ONLY COPY).

The authoritative reference and input builder live on the scoring server;
editing this copy changes nothing except your own understanding.
"""

import jax, jax.numpy as jnp
import numpy as np

B = 1024
KEY_DIMS = 768
EMBED_DIMS = 768
PROMPT_LEN = 16
POOL_SIZE = 8192
TOP_K = 4

def _l2_normalize(x, axis=-1, eps=1e-12):
    # matches tf.nn.l2_normalize: x * rsqrt(max(sum(x^2), eps))
    sq = jnp.sum(jnp.square(x), axis=axis, keepdims=True)
    return x * jax.lax.rsqrt(jnp.maximum(sq, eps))

def setup_inputs(seed: int = 0) -> dict:
    key = jax.random.key(seed)
    k1, k2, k3 = jax.random.split(key, 3)
    inputs = jax.random.normal(k1, (B, KEY_DIMS), dtype=jnp.float32)
    # module creates these with tf.random.uniform
    prompt_keys = jax.random.uniform(k2, (POOL_SIZE, KEY_DIMS), dtype=jnp.float32)
    prompt_values = jax.random.uniform(k3, (POOL_SIZE, PROMPT_LEN, EMBED_DIMS), dtype=jnp.float32)
    return {"inputs": inputs, "prompt_keys": prompt_keys, "prompt_values": prompt_values}

def reference(inputs, prompt_keys, prompt_values):
    # inputs: (B, key_dims) -> expand to (B, 1, key_dims)
    x = jnp.expand_dims(inputs, axis=1)
    # tf.keras.losses.cosine_similarity = -sum(l2norm(y_true) * l2norm(y_pred), axis=-1)
    xn = _l2_normalize(x, axis=-1)              # (B, 1, key_dims)
    kn = _l2_normalize(prompt_keys, axis=-1)    # (pool_size, key_dims)
    similarity_scores = -jnp.sum(xn * kn[None, :, :], axis=-1)  # (B, pool_size)
    _, top_indices = jax.lax.top_k(similarity_scores, TOP_K)     # (B, top_k)
    most_similar_prompt_values = jnp.take(prompt_values, top_indices, axis=0)  # (B, top_k, prompt_len, embed_dims)
    return most_similar_prompt_values

if __name__ == "__main__":
    import jax
    _d = setup_inputs()
    print(jax.jit(kernel)(*tuple(_d.values())))

</pallas_src>

<mosaic_0001>
#map = affine_map<(d0, d1) -> (0, 0, 0)>
#map1 = affine_map<(d0, d1) -> (0, 0)>
module attributes {stable_mosaic.version = 14 : i64} {
  func.func @gather_kernel(%arg0: i32, %arg1: i32, %arg2: memref<16384x8x768xf32, #tpu.memory_space<hbm>>, %arg3: memref<1024x8xi32, #tpu.memory_space<hbm>>, %arg4: memref<8192x8x768xf32, #tpu.memory_space<hbm>>, %arg5: memref<32x8xi32, #tpu.memory_space<vmem>>, %arg6: memref<8x8x768xf32, #tpu.memory_space<vmem>>, %arg7: memref<8x8x768xf32, #tpu.memory_space<vmem>>, %arg8: memref<!tpu.dma_semaphore, #tpu.memory_space<semaphore_mem>>, %arg9: memref<!tpu.dma_semaphore, #tpu.memory_space<semaphore_mem>>, %arg10: memref<!tpu.dma_semaphore, #tpu.memory_space<semaphore_mem>>, %arg11: memref<!tpu.dma_semaphore, #tpu.memory_space<semaphore_mem>>) attributes {dimension_semantics = [#tpu.dimension_semantics<core_parallel>, #tpu.dimension_semantics<subcore_parallel>], iteration_bounds = array<i64: 2, 16>, scalar_prefetch = 0 : i64, scratch_operands = 7 : i64, tpu.core_type = #tpu.core_type<sc_vector_subcore>, window_params = [{transform_indices = #map}, {transform_indices = #map1}, {transform_indices = #map}]} {
    %mul3A = arith.constant 2 : i32
    %mul3A_0 = arith.muli %arg1, %mul3A : i32
    %add3A = arith.addi %mul3A_0, %arg0 : i32
    %mul3A_1 = arith.constant 256 : i32
    %mul3A_2 = arith.muli %add3A, %mul3A_1 : i32
    %mul3A_3 = arith.constant 32 : i32
    %mul3A_4 = arith.muli %add3A, %mul3A_3 : i32
    "tpu.region"() ({
      %run_scoped3A = tpu.sem_alloc : memref<!tpu.dma_semaphore, #tpu.memory_space<semaphore_mem>>
      %dma_start3A_963 = arith.constant 0 : i32
      %dma_start3A_964 = tpu.memref_slice %arg3[%mul3A_4, %dma_start3A_963] : memref<1024x8xi32, #tpu.memory_space<hbm>> -> memref<32x8xi32, #tpu.memory_space<hbm>>
      %dma_start3A_965 = arith.constant 0 : i32
      %dma_start3A_966 = tpu.memref_slice %arg3[%mul3A_4, %dma_start3A_965] : memref<1024x8xi32, #tpu.memory_space<hbm>> -> memref<32x8xi32, #tpu.memory_space<hbm>>
      tpu.enqueue_dma source(%dma_start3A_966 : memref<32x8xi32, #tpu.memory_space<hbm>>) target(%arg5 : memref<32x8xi32, #tpu.memory_space<vmem>>) target_semaphore(%run_scoped3A : memref<!tpu.dma_semaphore, #tpu.memory_space<semaphore_mem>>)
      %dma_wait3A_967 = arith.constant 0 : i32
      %dma_wait3A_968 = tpu.memref_slice %arg3[%mul3A_4, %dma_wait3A_967] : memref<1024x8xi32, #tpu.memory_space<hbm>> -> memref<32x8xi32, #tpu.memory_space<hbm>>
      %dma_wait3A_969 = arith.constant 0 : i32
      %dma_wait3A_970 = tpu.memref_slice %arg3[%mul3A_4, %dma_wait3A_969] : memref<1024x8xi32, #tpu.memory_space<hbm>> -> memref<32x8xi32, #tpu.memory_space<hbm>>
      tpu.wait_dma2 semaphore(%run_scoped3A : memref<!tpu.dma_semaphore, #tpu.memory_space<semaphore_mem>>) src(%dma_wait3A_970 : memref<32x8xi32, #tpu.memory_space<hbm>>) dst(%arg5 : memref<32x8xi32, #tpu.memory_space<vmem>>)
      tpu.yield
    }) : () -> ()
    %dma_start3A = arith.constant 0 : i32
    %dma_start3A_5 = arith.constant 0 : i32
    %dma_start3A_6 = tpu.memref_slice %arg5[%dma_start3A, %dma_start3A_5] : memref<32x8xi32, #tpu.memory_space<vmem>> -> memref<1x8xi32, #tpu.memory_space<vmem>>
    %dma_start3A_7 = tpu.memref_squeeze %dma_start3A_6 : memref<1x8xi32, #tpu.memory_space<vmem>> -> memref<8xi32, #tpu.memory_space<vmem>>
    %dma_start3A_8 = arith.constant 0 : i32
    %dma_start3A_9 = arith.constant 0 : i32
    %dma_start3A_10 = arith.constant 0 : i32
    %dma_start3A_11 = tpu.memref_slice %arg2[%dma_start3A_8, %dma_start3A_9, %dma_start3A_10] : memref<16384x8x768xf32, #tpu.memory_space<hbm>> -> memref<16384x8x768xf32, #tpu.memory_space<hbm>>
    tpu.enqueue_indirect_dma source(%dma_start3A_11 : memref<16384x8x768xf32, #tpu.memory_space<hbm>>) target(%arg6 : memref<8x8x768xf32, #tpu.memory_space<vmem>>) offsets(%dma_start3A_7 : memref<8xi32, #tpu.memory_space<vmem>>) semaphore(%arg8 : memref<!tpu.dma_semaphore, #tpu.memory_space<semaphore_mem>>)
    %dma_start3A_12 = arith.constant 1 : i32
    %dma_start3A_13 = arith.constant 0 : i32
    %dma_start3A_14 = tpu.memref_slice %arg5[%dma_start3A_12, %dma_start3A_13] : memref<32x8xi32, #tpu.memory_space<vmem>> -> memref<1x8xi32, #tpu.memory_space<vmem>>
    %dma_start3A_15 = tpu.memref_squeeze %dma_start3A_14 : memref<1x8xi32, #tpu.memory_space<vmem>> -> memref<8xi32, #tpu.memory_space<vmem>>
    %dma_start3A_16 = arith.constant 0 : i32
    %dma_start3A_17 = arith.constant 0 : i32
    %dma_start3A_18 = arith.constant 0 : i32
    %dma_start3A_19 = tpu.memref_slice %arg2[%dma_start3A_16, %dma_start3A_17, %dma_start3A_18] : memref<16384x8x768xf32, #tpu.memory_space<hbm>> -> memref<16384x8x768xf32, #tpu.memory_space<hbm>>
    tpu.enqueue_indirect_dma source(%dma_start3A_19 : memref<16384x8x768xf32, #tpu.memory_space<hbm>>) target(%arg7 : memref<8x8x768xf32, #tpu.memory_space<vmem>>) offsets(%dma_start3A_15 : memref<8xi32, #tpu.memory_space<vmem>>) semaphore(%arg9 : memref<!tpu.dma_semaphore, #tpu.memory_space<semaphore_mem>>)
    %dma_wait3A = arith.constant 0 : i32
    %dma_wait3A_20 = arith.constant 0 : i32
    %dma_wait3A_21 = tpu.memref_slice %arg5[%dma_wait3A, %dma_wait3A_20] : memref<32x8xi32, #tpu.memory_space<vmem>> -> memref<1x8xi32, #tpu.memory_space<vmem>>
    %dma_wait3A_22 = tpu.memref_squeeze %dma_wait3A_21 : memref<1x8xi32, #tpu.memory_space<vmem>> -> memref<8xi32, #tpu.memory_space<vmem>>
    %dma_wait3A_23 = arith.constant 0 : i32
    %dma_wait3A_24 = arith.constant 0 : i32
    %dma_wait3A_25 = arith.constant 0 : i32
    %dma_wait3A_26 = tpu.memref_slice %arg2[%dma_wait3A_23, %dma_wait3A_24, %dma_wait3A_25] : memref<16384x8x768xf32, #tpu.memory_space<hbm>> -> memref<16384x8x768xf32, #tpu.memory_space<hbm>>
    tpu.wait_indirect_dma semaphore(%arg8 : memref<!tpu.dma_semaphore, #tpu.memory_space<semaphore_mem>>) src(%dma_wait3A_26 : memref<16384x8x768xf32, #tpu.memory_space<hbm>>) dst(%arg6 : memref<8x8x768xf32, #tpu.memory_space<vmem>>)
    %add3A_27 = arith.constant 0 : i32
    %add3A_28 = arith.addi %mul3A_2, %add3A_27 : i32
    %dma_start3A_29 = arith.constant 0 : i32
    %dma_start3A_30 = arith.constant 0 : i32
    %dma_start3A_31 = tpu.memref_slice %arg4[%add3A_28, %dma_start3A_29, %dma_start3A_30] : memref<8192x8x768xf32, #tpu.memory_space<hbm>> -> memref<8x8x768xf32, #tpu.memory_space<hbm>>
    %dma_start3A_32 = arith.constant 0 : i32
    %dma_start3A_33 = arith.constant 0 : i32
    %dma_start3A_34 = tpu.memref_slice %arg4[%add3A_28, %dma_start3A_32, %dma_start3A_33] : memref<8192x8x768xf32, #tpu.memory_space<hbm>> -> memref<8x8x768xf32, #tpu.memory_space<hbm>>
    tpu.enqueue_dma source(%arg6 : memref<8x8x768xf32, #tpu.memory_space<vmem>>) target(%dma_start3A_34 : memref<8x8x768xf32, #tpu.memory_space<hbm>>) target_semaphore(%arg10 : memref<!tpu.dma_semaphore, #tpu.memory_space<semaphore_mem>>)
    %dma_wait3A_35 = arith.constant 0 : i32
    %dma_wait3A_36 = arith.constant 0 : i32
    %dma_wait3A_37 = tpu.memref_slice %arg4[%add3A_28, %dma_wait3A_35, %dma_wait3A_36] : memref<8192x8x768xf32, #tpu.memory_space<hbm>> -> memref<8x8x768xf32, #tpu.memory_space<hbm>>
    %dma_wait3A_38 = arith.constant 0 : i32
    %dma_wait3A_39 = arith.constant 0 : i32
    %dma_wait3A_40 = tpu.memref_slice %arg4[%add3A_28, %dma_wait3A_38, %dma_wait3A_39] : memref<8192x8x768xf32, #tpu.memory_space<hbm>> -> memref<8x8x768xf32, #tpu.memory_space<hbm>>
    tpu.wait_dma2 semaphore(%arg10 : memref<!tpu.dma_semaphore, #tpu.memory_space<semaphore_mem>>) src(%arg6 : memref<8x8x768xf32, #tpu.memory_space<vmem>>) dst(%dma_wait3A_40 : memref<8x8x768xf32, #tpu.memory_space<hbm>>)
    %dma_start3A_41 = arith.constant 2 : i32
    %dma_start3A_42 = arith.constant 0 : i32
    %dma_start3A_43 = tpu.memref_slice %arg5[%dma_start3A_41, %dma_start3A_42] : memref<32x8xi32, #tpu.memory_space<vmem>> -> memref<1x8xi32, #tpu.memory_space<vmem>>
    %dma_start3A_44 = tpu.memref_squeeze %dma_start3A_43 : memref<1x8xi32, #tpu.memory_space<vmem>> -> memref<8xi32, #tpu.memory_space<vmem>>
    %dma_start3A_45 = arith.constant 0 : i32
    %dma_start3A_46 = arith.constant 0 : i32
    %dma_start3A_47 = arith.constant 0 : i32
    %dma_start3A_48 = tpu.memref_slice %arg2[%dma_start3A_45, %dma_start3A_46, %dma_start3A_47] : memref<16384x8x768xf32, #tpu.memory_space<hbm>> -> memref<16384x8x768xf32, #tpu.memory_space<hbm>>
    tpu.enqueue_indirect_dma source(%dma_start3A_48 : memref<16384x8x768xf32, #tpu.memory_space<hbm>>) target(%arg6 : memref<8x8x768xf32, #tpu.memory_space<vmem>>) offsets(%dma_start3A_44 : memref<8xi32, #tpu.memory_space<vmem>>) semaphore(%arg8 : memref<!tpu.dma_semaphore, #tpu.memory_space<semaphore_mem>>)
    %dma_wait3A_49 = arith.constant 1 : i32
    %dma_wait3A_50 = arith.constant 0 : i32
    %dma_wait3A_51 = tpu.memref_slice %arg5[%dma_wait3A_49, %dma_wait3A_50] : memref<32x8xi32, #tpu.memory_space<vmem>> -> memref<1x8xi32, #tpu.memory_space<vmem>>
    %dma_wait3A_52 = tpu.memref_squeeze %dma_wait3A_51 : memref<1x8xi32, #tpu.memory_space<vmem>> -> memref<8xi32, #tpu.memory_space<vmem>>
    %dma_wait3A_53 = arith.constant 0 : i32
    %dma_wait3A_54 = arith.constant 0 : i32
    %dma_wait3A_55 = arith.constant 0 : i32
    %dma_wait3A_56 = tpu.memref_slice %arg2[%dma_wait3A_53, %dma_wait3A_54, %dma_wait3A_55] : memref<16384x8x768xf32, #tpu.memory_space<hbm>> -> memref<16384x8x768xf32, #tpu.memory_space<hbm>>
    tpu.wait_indirect_dma semaphore(%arg9 : memref<!tpu.dma_semaphore, #tpu.memory_space<semaphore_mem>>) src(%dma_wait3A_56 : memref<16384x8x768xf32, #tpu.memory_space<hbm>>) dst(%arg7 : memref<8x8x768xf32, #tpu.memory_space<vmem>>)
    %add3A_57 = arith.constant 8 : i32
    %add3A_58 = arith.addi %mul3A_2, %add3A_57 : i32
    %dma_start3A_59 = arith.constant 0 : i32
    %dma_start3A_60 = arith.constant 0 : i32
    %dma_start3A_61 = tpu.memref_slice %arg4[%add3A_58, %dma_start3A_59, %dma_start3A_60] : memref<8192x8x768xf32, #tpu.memory_space<hbm>> -> memref<8x8x768xf32, #tpu.memory_space<hbm>>
    %dma_start3A_62 = arith.constant 0 : i32
    %dma_start3A_63 = arith.constant 0 : i32
    %dma_start3A_64 = tpu.memref_slice %arg4[%add3A_58, %dma_start3A_62, %dma_start3A_63] : memref<8192x8x768xf32, #tpu.memory_space<hbm>> -> memref<8x8x768xf32, #tpu.memory_space<hbm>>
    tpu.enqueue_dma source(%arg7 : memref<8x8x768xf32, #tpu.memory_space<vmem>>) target(%dma_start3A_64 : memref<8x8x768xf32, #tpu.memory_space<hbm>>) target_semaphore(%arg11 : memref<!tpu.dma_semaphore, #tpu.memory_space<semaphore_mem>>)
    %dma_wait3A_65 = arith.constant 0 : i32
    %dma_wait3A_66 = arith.constant 0 : i32
    %dma_wait3A_67 = tpu.memref_slice %arg4[%add3A_58, %dma_wait3A_65, %dma_wait3A_66] : memref<8192x8x768xf32, #tpu.memory_space<hbm>> -> memref<8x8x768xf32, #tpu.memory_space<hbm>>
    %dma_wait3A_68 = arith.constant 0 : i32
    %dma_wait3A_69 = arith.constant 0 : i32
    %dma_wait3A_70 = tpu.memref_slice %arg4[%add3A_58, %dma_wait3A_68, %dma_wait3A_69] : memref<8192x8x768xf32, #tpu.memory_space<hbm>> -> memref<8x8x768xf32, #tpu.memory_space<hbm>>
    tpu.wait_dma2 semaphore(%arg11 : memref<!tpu.dma_semaphore, #tpu.memory_space<semaphore_mem>>) src(%arg7 : memref<8x8x768xf32, #tpu.memory_space<vmem>>) dst(%dma_wait3A_70 : memref<8x8x768xf32, #tpu.memory_space<hbm>>)
    %dma_start3A_71 = arith.constant 3 : i32
    %dma_start3A_72 = arith.constant 0 : i32
    %dma_start3A_73 = tpu.memref_slice %arg5[%dma_start3A_71, %dma_start3A_72] : memref<32x8xi32, #tpu.memory_space<vmem>> -> memref<1x8xi32, #tpu.memory_space<vmem>>
    %dma_start3A_74 = tpu.memref_squeeze %dma_start3A_73 : memref<1x8xi32, #tpu.memory_space<vmem>> -> memref<8xi32, #tpu.memory_space<vmem>>
    %dma_start3A_75 = arith.constant 0 : i32
    %dma_start3A_76 = arith.constant 0 : i32
    %dma_start3A_77 = arith.constant 0 : i32
    %dma_start3A_78 = tpu.memref_slice %arg2[%dma_start3A_75, %dma_start3A_76, %dma_start3A_77] : memref<16384x8x768xf32, #tpu.memory_space<hbm>> -> memref<16384x8x768xf32, #tpu.memory_space<hbm>>
    tpu.enqueue_indirect_dma source(%dma_start3A_78 : memref<16384x8x768xf32, #tpu.memory_space<hbm>>) target(%arg7 : memref<8x8x768xf32, #tpu.memory_space<vmem>>) offsets(%dma_start3A_74 : memref<8xi32, #tpu.memory_space<vmem>>) semaphore(%arg9 : memref<!tpu.dma_semaphore, #tpu.memory_space<semaphore_mem>>)
    %dma_wait3A_79 = arith.constant 2 : i32
    %dma_wait3A_80 = arith.constant 0 : i32
    %dma_wait3A_81 = tpu.memref_slice %arg5[%dma_wait3A_79, %dma_wait3A_80] : memref<32x8xi32, #tpu.memory_space<vmem>> -> memref<1x8xi32, #tpu.memory_space<vmem>>
    %dma_wait3A_82 = tpu.memref_squeeze %dma_wait3A_81 : memref<1x8xi32, #tpu.memory_space<vmem>> -> memref<8xi32, #tpu.memory_space<vmem>>
    %dma_wait3A_83 = arith.constant 0 : i32
    %dma_wait3A_84 = arith.constant 0 : i32
    %dma_wait3A_85 = arith.constant 0 : i32
    %dma_wait3A_86 = tpu.memref_slice %arg2[%dma_wait3A_83, %dma_wait3A_84, %dma_wait3A_85] : memref<16384x8x768xf32, #tpu.memory_space<hbm>> -> memref<16384x8x768xf32, #tpu.memory_space<hbm>>
    tpu.wait_indirect_dma semaphore(%arg8 : memref<!tpu.dma_semaphore, #tpu.memory_space<semaphore_mem>>) src(%dma_wait3A_86 : memref<16384x8x768xf32, #tpu.memory_space<hbm>>) dst(%arg6 : memref<8x8x768xf32, #tpu.memory_space<vmem>>)
    %add3A_87 = arith.constant 16 : i32
    %add3A_88 = arith.addi %mul3A_2, %add3A_87 : i32
    %dma_start3A_89 = arith.constant 0 : i32
    %dma_start3A_90 = arith.constant 0 : i32
    %dma_start3A_91 = tpu.memref_slice %arg4[%add3A_88, %dma_start3A_89, %dma_start3A_90] : memref<8192x8x768xf32, #tpu.memory_space<hbm>> -> memref<8x8x768xf32, #tpu.memory_space<hbm>>
    %dma_start3A_92 = arith.constant 0 : i32
    %dma_start3A_93 = arith.constant 0 : i32
    %dma_start3A_94 = tpu.memref_slice %arg4[%add3A_88, %dma_start3A_92, %dma_start3A_93] : memref<8192x8x768xf32, #tpu.memory_space<hbm>> -> memref<8x8x768xf32, #tpu.memory_space<hbm>>
    tpu.enqueue_dma source(%arg6 : memref<8x8x768xf32, #tpu.memory_space<vmem>>) target(%dma_start3A_94 : memref<8x8x768xf32, #tpu.memory_space<hbm>>) target_semaphore(%arg10 : memref<!tpu.dma_semaphore, #tpu.memory_space<semaphore_mem>>)
    %dma_wait3A_95 = arith.constant 0 : i32
    %dma_wait3A_96 = arith.constant 0 : i32
    %dma_wait3A_97 = tpu.memref_slice %arg4[%add3A_88, %dma_wait3A_95, %dma_wait3A_96] : memref<8192x8x768xf32, #tpu.memory_space<hbm>> -> memref<8x8x768xf32, #tpu.memory_space<hbm>>
    %dma_wait3A_98 = arith.constant 0 : i32
    %dma_wait3A_99 = arith.constant 0 : i32
    %dma_wait3A_100 = tpu.memref_slice %arg4[%add3A_88, %dma_wait3A_98, %dma_wait3A_99] : memref<8192x8x768xf32, #tpu.memory_space<hbm>> -> memref<8x8x768xf32, #tpu.memory_space<hbm>>
    tpu.wait_dma2 semaphore(%arg10 : memref<!tpu.dma_semaphore, #tpu.memory_space<semaphore_mem>>) src(%arg6 : memref<8x8x768xf32, #tpu.memory_space<vmem>>) dst(%dma_wait3A_100 : memref<8x8x768xf32, #tpu.memory_space<hbm>>)
    %dma_start3A_101 = arith.constant 4 : i32
    %dma_start3A_102 = arith.constant 0 : i32
    %dma_start3A_103 = tpu.memref_slice %arg5[%dma_start3A_101, %dma_start3A_102] : memref<32x8xi32, #tpu.memory_space<vmem>> -> memref<1x8xi32, #tpu.memory_space<vmem>>
    %dma_start3A_104 = tpu.memref_squeeze %dma_start3A_103 : memref<1x8xi32, #tpu.memory_space<vmem>> -> memref<8xi32, #tpu.memory_space<vmem>>
    %dma_start3A_105 = arith.constant 0 : i32
    %dma_start3A_106 = arith.constant 0 : i32
    %dma_start3A_107 = arith.constant 0 : i32
    %dma_start3A_108 = tpu.memref_slice %arg2[%dma_start3A_105, %dma_start3A_106, %dma_start3A_107] : memref<16384x8x768xf32, #tpu.memory_space<hbm>> -> memref<16384x8x768xf32, #tpu.memory_space<hbm>>
    tpu.enqueue_indirect_dma source(%dma_start3A_108 : memref<16384x8x768xf32, #tpu.memory_space<hbm>>) target(%arg6 : memref<8x8x768xf32, #tpu.memory_space<vmem>>) offsets(%dma_start3A_104 : memref<8xi32, #tpu.memory_space<vmem>>) semaphore(%arg8 : memref<!tpu.dma_semaphore, #tpu.memory_space<semaphore_mem>>)
    %dma_wait3A_109 = arith.constant 3 : i32
    %dma_wait3A_110 = arith.constant 0 : i32
    %dma_wait3A_111 = tpu.memref_slice %arg5[%dma_wait3A_109, %dma_wait3A_110] : memref<32x8xi32, #tpu.memory_space<vmem>> -> memref<1x8xi32, #tpu.memory_space<vmem>>
    %dma_wait3A_112 = tpu.memref_squeeze %dma_wait3A_111 : memref<1x8xi32, #tpu.memory_space<vmem>> -> memref<8xi32, #tpu.memory_space<vmem>>
    %dma_wait3A_113 = arith.constant 0 : i32
    %dma_wait3A_114 = arith.constant 0 : i32
    %dma_wait3A_115 = arith.constant 0 : i32
    %dma_wait3A_116 = tpu.memref_slice %arg2[%dma_wait3A_113, %dma_wait3A_114, %dma_wait3A_115] : memref<16384x8x768xf32, #tpu.memory_space<hbm>> -> memref<16384x8x768xf32, #tpu.memory_space<hbm>>
    tpu.wait_indirect_dma semaphore(%arg9 : memref<!tpu.dma_semaphore, #tpu.memory_space<semaphore_mem>>) src(%dma_wait3A_116 : memref<16384x8x768xf32, #tpu.memory_space<hbm>>) dst(%arg7 : memref<8x8x768xf32, #tpu.memory_space<vmem>>)
    %add3A_117 = arith.constant 24 : i32
    %add3A_118 = arith.addi %mul3A_2, %add3A_117 : i32
    %dma_start3A_119 = arith.constant 0 : i32
    %dma_start3A_120 = arith.constant 0 : i32
    %dma_start3A_121 = tpu.memref_slice %arg4[%add3A_118, %dma_start3A_119, %dma_start3A_120] : memref<8192x8x768xf32, #tpu.memory_space<hbm>> -> memref<8x8x768xf32, #tpu.memory_space<hbm>>
    %dma_start3A_122 = arith.constant 0 : i32
    %dma_start3A_123 = arith.constant 0 : i32
    %dma_start3A_124 = tpu.memref_slice %arg4[%add3A_118, %dma_start3A_122, %dma_start3A_123] : memref<8192x8x768xf32, #tpu.memory_space<hbm>> -> memref<8x8x768xf32, #tpu.memory_space<hbm>>
    tpu.enqueue_dma source(%arg7 : memref<8x8x768xf32, #tpu.memory_space<vmem>>) target(%dma_start3A_124 : memref<8x8x768xf32, #tpu.memory_space<hbm>>) target_semaphore(%arg11 : memref<!tpu.dma_semaphore, #tpu.memory_space<semaphore_mem>>)
    %dma_wait3A_125 = arith.constant 0 : i32
    %dma_wait3A_126 = arith.constant 0 : i32
    %dma_wait3A_127 = tpu.memref_slice %arg4[%add3A_118, %dma_wait3A_125, %dma_wait3A_126] : memref<8192x8x768xf32, #tpu.memory_space<hbm>> -> memref<8x8x768xf32, #tpu.memory_space<hbm>>
    %dma_wait3A_128 = arith.constant 0 : i32
    %dma_wait3A_129 = arith.constant 0 : i32
    %dma_wait3A_130 = tpu.memref_slice %arg4[%add3A_118, %dma_wait3A_128, %dma_wait3A_129] : memref<8192x8x768xf32, #tpu.memory_space<hbm>> -> memref<8x8x768xf32, #tpu.memory_space<hbm>>
    tpu.wait_dma2 semaphore(%arg11 : memref<!tpu.dma_semaphore, #tpu.memory_space<semaphore_mem>>) src(%arg7 : memref<8x8x768xf32, #tpu.memory_space<vmem>>) dst(%dma_wait3A_130 : memref<8x8x768xf32, #tpu.memory_space<hbm>>)
    %dma_start3A_131 = arith.constant 5 : i32
    %dma_start3A_132 = arith.constant 0 : i32
    %dma_start3A_133 = tpu.memref_slice %arg5[%dma_start3A_131, %dma_start3A_132] : memref<32x8xi32, #tpu.memory_space<vmem>> -> memref<1x8xi32, #tpu.memory_space<vmem>>
    %dma_start3A_134 = tpu.memref_squeeze %dma_start3A_133 : memref<1x8xi32, #tpu.memory_space<vmem>> -> memref<8xi32, #tpu.memory_space<vmem>>
    %dma_start3A_135 = arith.constant 0 : i32
    %dma_start3A_136 = arith.constant 0 : i32
    %dma_start3A_137 = arith.constant 0 : i32
    %dma_start3A_138 = tpu.memref_slice %arg2[%dma_start3A_135, %dma_start3A_136, %dma_start3A_137] : memref<16384x8x768xf32, #tpu.memory_space<hbm>> -> memref<16384x8x768xf32, #tpu.memory_space<hbm>>
    tpu.enqueue_indirect_dma source(%dma_start3A_138 : memref<16384x8x768xf32, #tpu.memory_space<hbm>>) target(%arg7 : memref<8x8x768xf32, #tpu.memory_space<vmem>>) offsets(%dma_start3A_134 : memref<8xi32, #tpu.memory_space<vmem>>) semaphore(%arg9 : memref<!tpu.dma_semaphore, #tpu.memory_space<semaphore_mem>>)
    %dma_wait3A_139 = arith.constant 4 : i32
    %dma_wait3A_140 = arith.constant 0 : i32
    %dma_wait3A_141 = tpu.memref_slice %arg5[%dma_wait3A_139, %dma_wait3A_140] : memref<32x8xi32, #tpu.memory_space<vmem>> -> memref<1x8xi32, #tpu.memory_space<vmem>>
    %dma_wait3A_142 = tpu.memref_squeeze %dma_wait3A_141 : memref<1x8xi32, #tpu.memory_space<vmem>> -> memref<8xi32, #tpu.memory_space<vmem>>
    %dma_wait3A_143 = arith.constant 0 : i32
    %dma_wait3A_144 = arith.constant 0 : i32
    %dma_wait3A_145 = arith.constant 0 : i32
    %dma_wait3A_146 = tpu.memref_slice %arg2[%dma_wait3A_143, %dma_wait3A_144, %dma_wait3A_145] : memref<16384x8x768xf32, #tpu.memory_space<hbm>> -> memref<16384x8x768xf32, #tpu.memory_space<hbm>>
    tpu.wait_indirect_dma semaphore(%arg8 : memref<!tpu.dma_semaphore, #tpu.memory_space<semaphore_mem>>) src(%dma_wait3A_146 : memref<16384x8x768xf32, #tpu.memory_space<hbm>>) dst(%arg6 : memref<8x8x768xf32, #tpu.memory_space<vmem>>)
    %add3A_147 = arith.constant 32 : i32
    %add3A_148 = arith.addi %mul3A_2, %add3A_147 : i32
    %dma_start3A_149 = arith.constant 0 : i32
    %dma_start3A_150 = arith.constant 0 : i32
    %dma_start3A_151 = tpu.memref_slice %arg4[%add3A_148, %dma_start3A_149, %dma_start3A_150] : memref<8192x8x768xf32, #tpu.memory_space<hbm>> -> memref<8x8x768xf32, #tpu.memory_space<hbm>>
    %dma_start3A_152 = arith.constant 0 : i32
    %dma_start3A_153 = arith.constant 0 : i32
    %dma_start3A_154 = tpu.memref_slice %arg4[%add3A_148, %dma_start3A_152, %dma_start3A_153] : memref<8192x8x768xf32, #tpu.memory_space<hbm>> -> memref<8x8x768xf32, #tpu.memory_space<hbm>>
    tpu.enqueue_dma source(%arg6 : memref<8x8x768xf32, #tpu.memory_space<vmem>>) target(%dma_start3A_154 : memref<8x8x768xf32, #tpu.memory_space<hbm>>) target_semaphore(%arg10 : memref<!tpu.dma_semaphore, #tpu.memory_space<semaphore_mem>>)
    %dma_wait3A_155 = arith.constant 0 : i32
    %dma_wait3A_156 = arith.constant 0 : i32
    %dma_wait3A_157 = tpu.memref_slice %arg4[%add3A_148, %dma_wait3A_155, %dma_wait3A_156] : memref<8192x8x768xf32, #tpu.memory_space<hbm>> -> memref<8x8x768xf32, #tpu.memory_space<hbm>>
    %dma_wait3A_158 = arith.constant 0 : i32
    %dma_wait3A_159 = arith.constant 0 : i32
    %dma_wait3A_160 = tpu.memref_slice %arg4[%add3A_148, %dma_wait3A_158, %dma_wait3A_159] : memref<8192x8x768xf32, #tpu.memory_space<hbm>> -> memref<8x8x768xf32, #tpu.memory_space<hbm>>
    tpu.wait_dma2 semaphore(%arg10 : memref<!tpu.dma_semaphore, #tpu.memory_space<semaphore_mem>>) src(%arg6 : memref<8x8x768xf32, #tpu.memory_space<vmem>>) dst(%dma_wait3A_160 : memref<8x8x768xf32, #tpu.memory_space<hbm>>)
    %dma_start3A_161 = arith.constant 6 : i32
    %dma_start3A_162 = arith.constant 0 : i32
    %dma_start3A_163 = tpu.memref_slice %arg5[%dma_start3A_161, %dma_start3A_162] : memref<32x8xi32, #tpu.memory_space<vmem>> -> memref<1x8xi32, #tpu.memory_space<vmem>>
    %dma_start3A_164 = tpu.memref_squeeze %dma_start3A_163 : memref<1x8xi32, #tpu.memory_space<vmem>> -> memref<8xi32, #tpu.memory_space<vmem>>
    %dma_start3A_165 = arith.constant 0 : i32
    %dma_start3A_166 = arith.constant 0 : i32
    %dma_start3A_167 = arith.constant 0 : i32
    %dma_start3A_168 = tpu.memref_slice %arg2[%dma_start3A_165, %dma_start3A_166, %dma_start3A_167] : memref<16384x8x768xf32, #tpu.memory_space<hbm>> -> memref<16384x8x768xf32, #tpu.memory_space<hbm>>
    tpu.enqueue_indirect_dma source(%dma_start3A_168 : memref<16384x8x768xf32, #tpu.memory_space<hbm>>) target(%arg6 : memref<8x8x768xf32, #tpu.memory_space<vmem>>) offsets(%dma_start3A_164 : memref<8xi32, #tpu.memory_space<vmem>>) semaphore(%arg8 : memref<!tpu.dma_semaphore, #tpu.memory_space<semaphore_mem>>)
    %dma_wait3A_169 = arith.constant 5 : i32
    %dma_wait3A_170 = arith.constant 0 : i32
    %dma_wait3A_171 = tpu.memref_slice %arg5[%dma_wait3A_169, %dma_wait3A_170] : memref<32x8xi32, #tpu.memory_space<vmem>> -> memref<1x8xi32, #tpu.memory_space<vmem>>
    %dma_wait3A_172 = tpu.memref_squeeze %dma_wait3A_171 : memref<1x8xi32, #tpu.memory_space<vmem>> -> memref<8xi32, #tpu.memory_space<vmem>>
    %dma_wait3A_173 = arith.constant 0 : i32
    %dma_wait3A_174 = arith.constant 0 : i32
    %dma_wait3A_175 = arith.constant 0 : i32
    %dma_wait3A_176 = tpu.memref_slice %arg2[%dma_wait3A_173, %dma_wait3A_174, %dma_wait3A_175] : memref<16384x8x768xf32, #tpu.memory_space<hbm>> -> memref<16384x8x768xf32, #tpu.memory_space<hbm>>
    tpu.wait_indirect_dma semaphore(%arg9 : memref<!tpu.dma_semaphore, #tpu.memory_space<semaphore_mem>>) src(%dma_wait3A_176 : memref<16384x8x768xf32, #tpu.memory_space<hbm>>) dst(%arg7 : memref<8x8x768xf32, #tpu.memory_space<vmem>>)
    %add3A_177 = arith.constant 40 : i32
    %add3A_178 = arith.addi %mul3A_2, %add3A_177 : i32
    %dma_start3A_179 = arith.constant 0 : i32
    %dma_start3A_180 = arith.constant 0 : i32
    %dma_start3A_181 = tpu.memref_slice %arg4[%add3A_178, %dma_start3A_179, %dma_start3A_180] : memref<8192x8x768xf32, #tpu.memory_space<hbm>> -> memref<8x8x768xf32, #tpu.memory_space<hbm>>
    %dma_start3A_182 = arith.constant 0 : i32
    %dma_start3A_183 = arith.constant 0 : i32
    %dma_start3A_184 = tpu.memref_slice %arg4[%add3A_178, %dma_start3A_182, %dma_start3A_183] : memref<8192x8x768xf32, #tpu.memory_space<hbm>> -> memref<8x8x768xf32, #tpu.memory_space<hbm>>
    tpu.enqueue_dma source(%arg7 : memref<8x8x768xf32, #tpu.memory_space<vmem>>) target(%dma_start3A_184 : memref<8x8x768xf32, #tpu.memory_space<hbm>>) target_semaphore(%arg11 : memref<!tpu.dma_semaphore, #tpu.memory_space<semaphore_mem>>)
    %dma_wait3A_185 = arith.constant 0 : i32
    %dma_wait3A_186 = arith.constant 0 : i32
    %dma_wait3A_187 = tpu.memref_slice %arg4[%add3A_178, %dma_wait3A_185, %dma_wait3A_186] : memref<8192x8x768xf32, #tpu.memory_space<hbm>> -> memref<8x8x768xf32, #tpu.memory_space<hbm>>
    %dma_wait3A_188 = arith.constant 0 : i32
    %dma_wait3A_189 = arith.constant 0 : i32
    %dma_wait3A_190 = tpu.memref_slice %arg4[%add3A_178, %dma_wait3A_188, %dma_wait3A_189] : memref<8192x8x768xf32, #tpu.memory_space<hbm>> -> memref<8x8x768xf32, #tpu.memory_space<hbm>>
    tpu.wait_dma2 semaphore(%arg11 : memref<!tpu.dma_semaphore, #tpu.memory_space<semaphore_mem>>) src(%arg7 : memref<8x8x768xf32, #tpu.memory_space<vmem>>) dst(%dma_wait3A_190 : memref<8x8x768xf32, #tpu.memory_space<hbm>>)
    %dma_start3A_191 = arith.constant 7 : i32
    %dma_start3A_192 = arith.constant 0 : i32
    %dma_start3A_193 = tpu.memref_slice %arg5[%dma_start3A_191, %dma_start3A_192] : memref<32x8xi32, #tpu.memory_space<vmem>> -> memref<1x8xi32, #tpu.memory_space<vmem>>
    %dma_start3A_194 = tpu.memref_squeeze %dma_start3A_193 : memref<1x8xi32, #tpu.memory_space<vmem>> -> memref<8xi32, #tpu.memory_space<vmem>>
    %dma_start3A_195 = arith.constant 0 : i32
    %dma_start3A_196 = arith.constant 0 : i32
    %dma_start3A_197 = arith.constant 0 : i32
    %dma_start3A_198 = tpu.memref_slice %arg2[%dma_start3A_195, %dma_start3A_196, %dma_start3A_197] : memref<16384x8x768xf32, #tpu.memory_space<hbm>> -> memref<16384x8x768xf32, #tpu.memory_space<hbm>>
    tpu.enqueue_indirect_dma source(%dma_start3A_198 : memref<16384x8x768xf32, #tpu.memory_space<hbm>>) target(%arg7 : memref<8x8x768xf32, #tpu.memory_space<vmem>>) offsets(%dma_start3A_194 : memref<8xi32, #tpu.memory_space<vmem>>) semaphore(%arg9 : memref<!tpu.dma_semaphore, #tpu.memory_space<semaphore_mem>>)
    %dma_wait3A_199 = arith.constant 6 : i32
    %dma_wait3A_200 = arith.constant 0 : i32
    %dma_wait3A_201 = tpu.memref_slice %arg5[%dma_wait3A_199, %dma_wait3A_200] : memref<32x8xi32, #tpu.memory_space<vmem>> -> memref<1x8xi32, #tpu.memory_space<vmem>>
    %dma_wait3A_202 = tpu.memref_squeeze %dma_wait3A_201 : memref<1x8xi32, #tpu.memory_space<vmem>> -> memref<8xi32, #tpu.memory_space<vmem>>
    %dma_wait3A_203 = arith.constant 0 : i32
    %dma_wait3A_204 = arith.constant 0 : i32
    %dma_wait3A_205 = arith.constant 0 : i32
    %dma_wait3A_206 = tpu.memref_slice %arg2[%dma_wait3A_203, %dma_wait3A_204, %dma_wait3A_205] : memref<16384x8x768xf32, #tpu.memory_space<hbm>> -> memref<16384x8x768xf32, #tpu.memory_space<hbm>>
    tpu.wait_indirect_dma semaphore(%arg8 : memref<!tpu.dma_semaphore, #tpu.memory_space<semaphore_mem>>) src(%dma_wait3A_206 : memref<16384x8x768xf32, #tpu.memory_space<hbm>>) dst(%arg6 : memref<8x8x768xf32, #tpu.memory_space<vmem>>)
    %add3A_207 = arith.constant 48 : i32
    %add3A_208 = arith.addi %mul3A_2, %add3A_207 : i32
    %dma_start3A_209 = arith.constant 0 : i32
    %dma_start3A_210 = arith.constant 0 : i32
    %dma_start3A_211 = tpu.memref_slice %arg4[%add3A_208, %dma_start3A_209, %dma_start3A_210] : memref<8192x8x768xf32, #tpu.memory_space<hbm>> -> memref<8x8x768xf32, #tpu.memory_space<hbm>>
    %dma_start3A_212 = arith.constant 0 : i32
    %dma_start3A_213 = arith.constant 0 : i32
    %dma_start3A_214 = tpu.memref_slice %arg4[%add3A_208, %dma_start3A_212, %dma_start3A_213] : memref<8192x8x768xf32, #tpu.memory_space<hbm>> -> memref<8x8x768xf32, #tpu.memory_space<hbm>>
    tpu.enqueue_dma source(%arg6 : memref<8x8x768xf32, #tpu.memory_space<vmem>>) target(%dma_start3A_214 : memref<8x8x768xf32, #tpu.memory_space<hbm>>) target_semaphore(%arg10 : memref<!tpu.dma_semaphore, #tpu.memory_space<semaphore_mem>>)
    %dma_wait3A_215 = arith.constant 0 : i32
    %dma_wait3A_216 = arith.constant 0 : i32
    %dma_wait3A_217 = tpu.memref_slice %arg4[%add3A_208, %dma_wait3A_215, %dma_wait3A_216] : memref<8192x8x768xf32, #tpu.memory_space<hbm>> -> memref<8x8x768xf32, #tpu.memory_space<hbm>>
    %dma_wait3A_218 = arith.constant 0 : i32
    %dma_wait3A_219 = arith.constant 0 : i32
    %dma_wait3A_220 = tpu.memref_slice %arg4[%add3A_208, %dma_wait3A_218, %dma_wait3A_219] : memref<8192x8x768xf32, #tpu.memory_space<hbm>> -> memref<8x8x768xf32, #tpu.memory_space<hbm>>
    tpu.wait_dma2 semaphore(%arg10 : memref<!tpu.dma_semaphore, #tpu.memory_space<semaphore_mem>>) src(%arg6 : memref<8x8x768xf32, #tpu.memory_space<vmem>>) dst(%dma_wait3A_220 : memref<8x8x768xf32, #tpu.memory_space<hbm>>)
    %dma_start3A_221 = arith.constant 8 : i32
    %dma_start3A_222 = arith.constant 0 : i32
    %dma_start3A_223 = tpu.memref_slice %arg5[%dma_start3A_221, %dma_start3A_222] : memref<32x8xi32, #tpu.memory_space<vmem>> -> memref<1x8xi32, #tpu.memory_space<vmem>>
    %dma_start3A_224 = tpu.memref_squeeze %dma_start3A_223 : memref<1x8xi32, #tpu.memory_space<vmem>> -> memref<8xi32, #tpu.memory_space<vmem>>
    %dma_start3A_225 = arith.constant 0 : i32
    %dma_start3A_226 = arith.constant 0 : i32
    %dma_start3A_227 = arith.constant 0 : i32
    %dma_start3A_228 = tpu.memref_slice %arg2[%dma_start3A_225, %dma_start3A_226, %dma_start3A_227] : memref<16384x8x768xf32, #tpu.memory_space<hbm>> -> memref<16384x8x768xf32, #tpu.memory_space<hbm>>
    tpu.enqueue_indirect_dma source(%dma_start3A_228 : memref<16384x8x768xf32, #tpu.memory_space<hbm>>) target(%arg6 : memref<8x8x768xf32, #tpu.memory_space<vmem>>) offsets(%dma_start3A_224 : memref<8xi32, #tpu.memory_space<vmem>>) semaphore(%arg8 : memref<!tpu.dma_semaphore, #tpu.memory_space<semaphore_mem>>)
    %dma_wait3A_229 = arith.constant 7 : i32
    %dma_wait3A_230 = arith.constant 0 : i32
    %dma_wait3A_231 = tpu.memref_slice %arg5[%dma_wait3A_229, %dma_wait3A_230] : memref<32x8xi32, #tpu.memory_space<vmem>> -> memref<1x8xi32, #tpu.memory_space<vmem>>
    %dma_wait3A_232 = tpu.memref_squeeze %dma_wait3A_231 : memref<1x8xi32, #tpu.memory_space<vmem>> -> memref<8xi32, #tpu.memory_space<vmem>>
    %dma_wait3A_233 = arith.constant 0 : i32
    %dma_wait3A_234 = arith.constant 0 : i32
    %dma_wait3A_235 = arith.constant 0 : i32
    %dma_wait3A_236 = tpu.memref_slice %arg2[%dma_wait3A_233, %dma_wait3A_234, %dma_wait3A_235] : memref<16384x8x768xf32, #tpu.memory_space<hbm>> -> memref<16384x8x768xf32, #tpu.memory_space<hbm>>
    tpu.wait_indirect_dma semaphore(%arg9 : memref<!tpu.dma_semaphore, #tpu.memory_space<semaphore_mem>>) src(%dma_wait3A_236 : memref<16384x8x768xf32, #tpu.memory_space<hbm>>) dst(%arg7 : memref<8x8x768xf32, #tpu.memory_space<vmem>>)
    %add3A_237 = arith.constant 56 : i32
    %add3A_238 = arith.addi %mul3A_2, %add3A_237 : i32
    %dma_start3A_239 = arith.constant 0 : i32
    %dma_start3A_240 = arith.constant 0 : i32
    %dma_start3A_241 = tpu.memref_slice %arg4[%add3A_238, %dma_start3A_239, %dma_start3A_240] : memref<8192x8x768xf32, #tpu.memory_space<hbm>> -> memref<8x8x768xf32, #tpu.memory_space<hbm>>
    %dma_start3A_242 = arith.constant 0 : i32
    %dma_start3A_243 = arith.constant 0 : i32
    %dma_start3A_244 = tpu.memref_slice %arg4[%add3A_238, %dma_start3A_242, %dma_start3A_243] : memref<8192x8x768xf32, #tpu.memory_space<hbm>> -> memref<8x8x768xf32, #tpu.memory_space<hbm>>
    tpu.enqueue_dma source(%arg7 : memref<8x8x768xf32, #tpu.memory_space<vmem>>) target(%dma_start3A_244 : memref<8x8x768xf32, #tpu.memory_space<hbm>>) target_semaphore(%arg11 : memref<!tpu.dma_semaphore, #tpu.memory_space<semaphore_mem>>)
    %dma_wait3A_245 = arith.constant 0 : i32
    %dma_wait3A_246 = arith.constant 0 : i32
    %dma_wait3A_247 = tpu.memref_slice %arg4[%add3A_238, %dma_wait3A_245, %dma_wait3A_246] : memref<8192x8x768xf32, #tpu.memory_space<hbm>> -> memref<8x8x768xf32, #tpu.memory_space<hbm>>
    %dma_wait3A_248 = arith.constant 0 : i32
    %dma_wait3A_249 = arith.constant 0 : i32
    %dma_wait3A_250 = tpu.memref_slice %arg4[%add3A_238, %dma_wait3A_248, %dma_wait3A_249] : memref<8192x8x768xf32, #tpu.memory_space<hbm>> -> memref<8x8x768xf32, #tpu.memory_space<hbm>>
    tpu.wait_dma2 semaphore(%arg11 : memref<!tpu.dma_semaphore, #tpu.memory_space<semaphore_mem>>) src(%arg7 : memref<8x8x768xf32, #tpu.memory_space<vmem>>) dst(%dma_wait3A_250 : memref<8x8x768xf32, #tpu.memory_space<hbm>>)
    %dma_start3A_251 = arith.constant 9 : i32
    %dma_start3A_252 = arith.constant 0 : i32
    %dma_start3A_253 = tpu.memref_slice %arg5[%dma_start3A_251, %dma_start3A_252] : memref<32x8xi32, #tpu.memory_space<vmem>> -> memref<1x8xi32, #tpu.memory_space<vmem>>
    %dma_start3A_254 = tpu.memref_squeeze %dma_start3A_253 : memref<1x8xi32, #tpu.memory_space<vmem>> -> memref<8xi32, #tpu.memory_space<vmem>>
    %dma_start3A_255 = arith.constant 0 : i32
    %dma_start3A_256 = arith.constant 0 : i32
    %dma_start3A_257 = arith.constant 0 : i32
    %dma_start3A_258 = tpu.memref_slice %arg2[%dma_start3A_255, %dma_start3A_256, %dma_start3A_257] : memref<16384x8x768xf32, #tpu.memory_space<hbm>> -> memref<16384x8x768xf32, #tpu.memory_space<hbm>>
    tpu.enqueue_indirect_dma source(%dma_start3A_258 : memref<16384x8x768xf32, #tpu.memory_space<hbm>>) target(%arg7 : memref<8x8x768xf32, #tpu.memory_space<vmem>>) offsets(%dma_start3A_254 : memref<8xi32, #tpu.memory_space<vmem>>) semaphore(%arg9 : memref<!tpu.dma_semaphore, #tpu.memory_space<semaphore_mem>>)
    %dma_wait3A_259 = arith.constant 8 : i32
    %dma_wait3A_260 = arith.constant 0 : i32
    %dma_wait3A_261 = tpu.memref_slice %arg5[%dma_wait3A_259, %dma_wait3A_260] : memref<32x8xi32, #tpu.memory_space<vmem>> -> memref<1x8xi32, #tpu.memory_space<vmem>>
    %dma_wait3A_262 = tpu.memref_squeeze %dma_wait3A_261 : memref<1x8xi32, #tpu.memory_space<vmem>> -> memref<8xi32, #tpu.memory_space<vmem>>
    %dma_wait3A_263 = arith.constant 0 : i32
    %dma_wait3A_264 = arith.constant 0 : i32
    %dma_wait3A_265 = arith.constant 0 : i32
    %dma_wait3A_266 = tpu.memref_slice %arg2[%dma_wait3A_263, %dma_wait3A_264, %dma_wait3A_265] : memref<16384x8x768xf32, #tpu.memory_space<hbm>> -> memref<16384x8x768xf32, #tpu.memory_space<hbm>>
    tpu.wait_indirect_dma semaphore(%arg8 : memref<!tpu.dma_semaphore, #tpu.memory_space<semaphore_mem>>) src(%dma_wait3A_266 : memref<16384x8x768xf32, #tpu.memory_space<hbm>>) dst(%arg6 : memref<8x8x768xf32, #tpu.memory_space<vmem>>)
    %add3A_267 = arith.constant 64 : i32
    %add3A_268 = arith.addi %mul3A_2, %add3A_267 : i32
    %dma_start3A_269 = arith.constant 0 : i32
    %dma_start3A_270 = arith.constant 0 : i32
    %dma_start3A_271 = tpu.memref_slice %arg4[%add3A_268, %dma_start3A_269, %dma_start3A_270] : memref<8192x8x768xf32, #tpu.memory_space<hbm>> -> memref<8x8x768xf32, #tpu.memory_space<hbm>>
    %dma_start3A_272 = arith.constant 0 : i32
    %dma_start3A_273 = arith.constant 0 : i32
    %dma_start3A_274 = tpu.memref_slice %arg4[%add3A_268, %dma_start3A_272, %dma_start3A_273] : memref<8192x8x768xf32, #tpu.memory_space<hbm>> -> memref<8x8x768xf32, #tpu.memory_space<hbm>>
    tpu.enqueue_dma source(%arg6 : memref<8x8x768xf32, #tpu.memory_space<vmem>>) target(%dma_start3A_274 : memref<8x8x768xf32, #tpu.memory_space<hbm>>) target_semaphore(%arg10 : memref<!tpu.dma_semaphore, #tpu.memory_space<semaphore_mem>>)
    %dma_wait3A_275 = arith.constant 0 : i32
    %dma_wait3A_276 = arith.constant 0 : i32
    %dma_wait3A_277 = tpu.memref_slice %arg4[%add3A_268, %dma_wait3A_275, %dma_wait3A_276] : memref<8192x8x768xf32, #tpu.memory_space<hbm>> -> memref<8x8x768xf32, #tpu.memory_space<hbm>>
    %dma_wait3A_278 = arith.constant 0 : i32
    %dma_wait3A_279 = arith.constant 0 : i32
    %dma_wait3A_280 = tpu.memref_slice %arg4[%add3A_268, %dma_wait3A_278, %dma_wait3A_279] : memref<8192x8x768xf32, #tpu.memory_space<hbm>> -> memref<8x8x768xf32, #tpu.memory_space<hbm>>
    tpu.wait_dma2 semaphore(%arg10 : memref<!tpu.dma_semaphore, #tpu.memory_space<semaphore_mem>>) src(%arg6 : memref<8x8x768xf32, #tpu.memory_space<vmem>>) dst(%dma_wait3A_280 : memref<8x8x768xf32, #tpu.memory_space<hbm>>)
    %dma_start3A_281 = arith.constant 10 : i32
    %dma_start3A_282 = arith.constant 0 : i32
    %dma_start3A_283 = tpu.memref_slice %arg5[%dma_start3A_281, %dma_start3A_282] : memref<32x8xi32, #tpu.memory_space<vmem>> -> memref<1x8xi32, #tpu.memory_space<vmem>>
    %dma_start3A_284 = tpu.memref_squeeze %dma_start3A_283 : memref<1x8xi32, #tpu.memory_space<vmem>> -> memref<8xi32, #tpu.memory_space<vmem>>
    %dma_start3A_285 = arith.constant 0 : i32
    %dma_start3A_286 = arith.constant 0 : i32
    %dma_start3A_287 = arith.constant 0 : i32
    %dma_start3A_288 = tpu.memref_slice %arg2[%dma_start3A_285, %dma_start3A_286, %dma_start3A_287] : memref<16384x8x768xf32, #tpu.memory_space<hbm>> -> memref<16384x8x768xf32, #tpu.memory_space<hbm>>
    tpu.enqueue_indirect_dma source(%dma_start3A_288 : memref<16384x8x768xf32, #tpu.memory_space<hbm>>) target(%arg6 : memref<8x8x768xf32, #tpu.memory_space<vmem>>) offsets(%dma_start3A_284 : memref<8xi32, #tpu.memory_space<vmem>>) semaphore(%arg8 : memref<!tpu.dma_semaphore, #tpu.memory_space<semaphore_mem>>)
    %dma_wait3A_289 = arith.constant 9 : i32
    %dma_wait3A_290 = arith.constant 0 : i32
    %dma_wait3A_291 = tpu.memref_slice %arg5[%dma_wait3A_289, %dma_wait3A_290] : memref<32x8xi32, #tpu.memory_space<vmem>> -> memref<1x8xi32, #tpu.memory_space<vmem>>
    %dma_wait3A_292 = tpu.memref_squeeze %dma_wait3A_291 : memref<1x8xi32, #tpu.memory_space<vmem>> -> memref<8xi32, #tpu.memory_space<vmem>>
    %dma_wait3A_293 = arith.constant 0 : i32
    %dma_wait3A_294 = arith.constant 0 : i32
    %dma_wait3A_295 = arith.constant 0 : i32
    %dma_wait3A_296 = tpu.memref_slice %arg2[%dma_wait3A_293, %dma_wait3A_294, %dma_wait3A_295] : memref<16384x8x768xf32, #tpu.memory_space<hbm>> -> memref<16384x8x768xf32, #tpu.memory_space<hbm>>
    tpu.wait_indirect_dma semaphore(%arg9 : memref<!tpu.dma_semaphore, #tpu.memory_space<semaphore_mem>>) src(%dma_wait3A_296 : memref<16384x8x768xf32, #tpu.memory_space<hbm>>) dst(%arg7 : memref<8x8x768xf32, #tpu.memory_space<vmem>>)
    %add3A_297 = arith.constant 72 : i32
    %add3A_298 = arith.addi %mul3A_2, %add3A_297 : i32
    %dma_start3A_299 = arith.constant 0 : i32
    %dma_start3A_300 = arith.constant 0 : i32
    %dma_start3A_301 = tpu.memref_slice %arg4[%add3A_298, %dma_start3A_299, %dma_start3A_300] : memref<8192x8x768xf32, #tpu.memory_space<hbm>> -> memref<8x8x768xf32, #tpu.memory_space<hbm>>
    %dma_start3A_302 = arith.constant 0 : i32
    %dma_start3A_303 = arith.constant 0 : i32
    %dma_start3A_304 = tpu.memref_slice %arg4[%add3A_298, %dma_start3A_302, %dma_start3A_303] : memref<8192x8x768xf32, #tpu.memory_space<hbm>> -> memref<8x8x768xf32, #tpu.memory_space<hbm>>
    tpu.enqueue_dma source(%arg7 : memref<8x8x768xf32, #tpu.memory_space<vmem>>) target(%dma_start3A_304 : memref<8x8x768xf32, #tpu.memory_space<hbm>>) target_semaphore(%arg11 : memref<!tpu.dma_semaphore, #tpu.memory_space<semaphore_mem>>)
    %dma_wait3A_305 = arith.constant 0 : i32
    %dma_wait3A_306 = arith.constant 0 : i32
    %dma_wait3A_307 = tpu.memref_slice %arg4[%add3A_298, %dma_wait3A_305, %dma_wait3A_306] : memref<8192x8x768xf32, #tpu.memory_space<hbm>> -> memref<8x8x768xf32, #tpu.memory_space<hbm>>
    %dma_wait3A_308 = arith.constant 0 : i32
    %dma_wait3A_309 = arith.constant 0 : i32
    %dma_wait3A_310 = tpu.memref_slice %arg4[%add3A_298, %dma_wait3A_308, %dma_wait3A_309] : memref<8192x8x768xf32, #tpu.memory_space<hbm>> -> memref<8x8x768xf32, #tpu.memory_space<hbm>>
    tpu.wait_dma2 semaphore(%arg11 : memref<!tpu.dma_semaphore, #tpu.memory_space<semaphore_mem>>) src(%arg7 : memref<8x8x768xf32, #tpu.memory_space<vmem>>) dst(%dma_wait3A_310 : memref<8x8x768xf32, #tpu.memory_space<hbm>>)
    %dma_start3A_311 = arith.constant 11 : i32
    %dma_start3A_312 = arith.constant 0 : i32
    %dma_start3A_313 = tpu.memref_slice %arg5[%dma_start3A_311, %dma_start3A_312] : memref<32x8xi32, #tpu.memory_space<vmem>> -> memref<1x8xi32, #tpu.memory_space<vmem>>
    %dma_start3A_314 = tpu.memref_squeeze %dma_start3A_313 : memref<1x8xi32, #tpu.memory_space<vmem>> -> memref<8xi32, #tpu.memory_space<vmem>>
    %dma_start3A_315 = arith.constant 0 : i32
    %dma_start3A_316 = arith.constant 0 : i32
    %dma_start3A_317 = arith.constant 0 : i32
    %dma_start3A_318 = tpu.memref_slice %arg2[%dma_start3A_315, %dma_start3A_316, %dma_start3A_317] : memref<16384x8x768xf32, #tpu.memory_space<hbm>> -> memref<16384x8x768xf32, #tpu.memory_space<hbm>>
    tpu.enqueue_indirect_dma source(%dma_start3A_318 : memref<16384x8x768xf32, #tpu.memory_space<hbm>>) target(%arg7 : memref<8x8x768xf32, #tpu.memory_space<vmem>>) offsets(%dma_start3A_314 : memref<8xi32, #tpu.memory_space<vmem>>) semaphore(%arg9 : memref<!tpu.dma_semaphore, #tpu.memory_space<semaphore_mem>>)
    %dma_wait3A_319 = arith.constant 10 : i32
    %dma_wait3A_320 = arith.constant 0 : i32
    %dma_wait3A_321 = tpu.memref_slice %arg5[%dma_wait3A_319, %dma_wait3A_320] : memref<32x8xi32, #tpu.memory_space<vmem>> -> memref<1x8xi32, #tpu.memory_space<vmem>>
    %dma_wait3A_322 = tpu.memref_squeeze %dma_wait3A_321 : memref<1x8xi32, #tpu.memory_space<vmem>> -> memref<8xi32, #tpu.memory_space<vmem>>
    %dma_wait3A_323 = arith.constant 0 : i32
    %dma_wait3A_324 = arith.constant 0 : i32
    %dma_wait3A_325 = arith.constant 0 : i32
    %dma_wait3A_326 = tpu.memref_slice %arg2[%dma_wait3A_323, %dma_wait3A_324, %dma_wait3A_325] : memref<16384x8x768xf32, #tpu.memory_space<hbm>> -> memref<16384x8x768xf32, #tpu.memory_space<hbm>>
    tpu.wait_indirect_dma semaphore(%arg8 : memref<!tpu.dma_semaphore, #tpu.memory_space<semaphore_mem>>) src(%dma_wait3A_326 : memref<16384x8x768xf32, #tpu.memory_space<hbm>>) dst(%arg6 : memref<8x8x768xf32, #tpu.memory_space<vmem>>)
    %add3A_327 = arith.constant 80 : i32
    %add3A_328 = arith.addi %mul3A_2, %add3A_327 : i32
    %dma_start3A_329 = arith.constant 0 : i32
    %dma_start3A_330 = arith.constant 0 : i32
    %dma_start3A_331 = tpu.memref_slice %arg4[%add3A_328, %dma_start3A_329, %dma_start3A_330] : memref<8192x8x768xf32, #tpu.memory_space<hbm>> -> memref<8x8x768xf32, #tpu.memory_space<hbm>>
    %dma_start3A_332 = arith.constant 0 : i32
    %dma_start3A_333 = arith.constant 0 : i32
    %dma_start3A_334 = tpu.memref_slice %arg4[%add3A_328, %dma_start3A_332, %dma_start3A_333] : memref<8192x8x768xf32, #tpu.memory_space<hbm>> -> memref<8x8x768xf32, #tpu.memory_space<hbm>>
    tpu.enqueue_dma source(%arg6 : memref<8x8x768xf32, #tpu.memory_space<vmem>>) target(%dma_start3A_334 : memref<8x8x768xf32, #tpu.memory_space<hbm>>) target_semaphore(%arg10 : memref<!tpu.dma_semaphore, #tpu.memory_space<semaphore_mem>>)
    %dma_wait3A_335 = arith.constant 0 : i32
    %dma_wait3A_336 = arith.constant 0 : i32
    %dma_wait3A_337 = tpu.memref_slice %arg4[%add3A_328, %dma_wait3A_335, %dma_wait3A_336] : memref<8192x8x768xf32, #tpu.memory_space<hbm>> -> memref<8x8x768xf32, #tpu.memory_space<hbm>>
    %dma_wait3A_338 = arith.constant 0 : i32
    %dma_wait3A_339 = arith.constant 0 : i32
    %dma_wait3A_340 = tpu.memref_slice %arg4[%add3A_328, %dma_wait3A_338, %dma_wait3A_339] : memref<8192x8x768xf32, #tpu.memory_space<hbm>> -> memref<8x8x768xf32, #tpu.memory_space<hbm>>
    tpu.wait_dma2 semaphore(%arg10 : memref<!tpu.dma_semaphore, #tpu.memory_space<semaphore_mem>>) src(%arg6 : memref<8x8x768xf32, #tpu.memory_space<vmem>>) dst(%dma_wait3A_340 : memref<8x8x768xf32, #tpu.memory_space<hbm>>)
    %dma_start3A_341 = arith.constant 12 : i32
    %dma_start3A_342 = arith.constant 0 : i32
    %dma_start3A_343 = tpu.memref_slice %arg5[%dma_start3A_341, %dma_start3A_342] : memref<32x8xi32, #tpu.memory_space<vmem>> -> memref<1x8xi32, #tpu.memory_space<vmem>>
    %dma_start3A_344 = tpu.memref_squeeze %dma_start3A_343 : memref<1x8xi32, #tpu.memory_space<vmem>> -> memref<8xi32, #tpu.memory_space<vmem>>
    %dma_start3A_345 = arith.constant 0 : i32
    %dma_start3A_346 = arith.constant 0 : i32
    %dma_start3A_347 = arith.constant 0 : i32
    %dma_start3A_348 = tpu.memref_slice %arg2[%dma_start3A_345, %dma_start3A_346, %dma_start3A_347] : memref<16384x8x768xf32, #tpu.memory_space<hbm>> -> memref<16384x8x768xf32, #tpu.memory_space<hbm>>
    tpu.enqueue_indirect_dma source(%dma_start3A_348 : memref<16384x8x768xf32, #tpu.memory_space<hbm>>) target(%arg6 : memref<8x8x768xf32, #tpu.memory_space<vmem>>) offsets(%dma_start3A_344 : memref<8xi32, #tpu.memory_space<vmem>>) semaphore(%arg8 : memref<!tpu.dma_semaphore, #tpu.memory_space<semaphore_mem>>)
    %dma_wait3A_349 = arith.constant 11 : i32
    %dma_wait3A_350 = arith.constant 0 : i32
    %dma_wait3A_351 = tpu.memref_slice %arg5[%dma_wait3A_349, %dma_wait3A_350] : memref<32x8xi32, #tpu.memory_space<vmem>> -> memref<1x8xi32, #tpu.memory_space<vmem>>
    %dma_wait3A_352 = tpu.memref_squeeze %dma_wait3A_351 : memref<1x8xi32, #tpu.memory_space<vmem>> -> memref<8xi32, #tpu.memory_space<vmem>>
    %dma_wait3A_353 = arith.constant 0 : i32
    %dma_wait3A_354 = arith.constant 0 : i32
    %dma_wait3A_355 = arith.constant 0 : i32
    %dma_wait3A_356 = tpu.memref_slice %arg2[%dma_wait3A_353, %dma_wait3A_354, %dma_wait3A_355] : memref<16384x8x768xf32, #tpu.memory_space<hbm>> -> memref<16384x8x768xf32, #tpu.memory_space<hbm>>
    tpu.wait_indirect_dma semaphore(%arg9 : memref<!tpu.dma_semaphore, #tpu.memory_space<semaphore_mem>>) src(%dma_wait3A_356 : memref<16384x8x768xf32, #tpu.memory_space<hbm>>) dst(%arg7 : memref<8x8x768xf32, #tpu.memory_space<vmem>>)
    %add3A_357 = arith.constant 88 : i32
    %add3A_358 = arith.addi %mul3A_2, %add3A_357 : i32
    %dma_start3A_359 = arith.constant 0 : i32
    %dma_start3A_360 = arith.constant 0 : i32
    %dma_start3A_361 = tpu.memref_slice %arg4[%add3A_358, %dma_start3A_359, %dma_start3A_360] : memref<8192x8x768xf32, #tpu.memory_space<hbm>> -> memref<8x8x768xf32, #tpu.memory_space<hbm>>
    %dma_start3A_362 = arith.constant 0 : i32
    %dma_start3A_363 = arith.constant 0 : i32
    %dma_start3A_364 = tpu.memref_slice %arg4[%add3A_358, %dma_start3A_362, %dma_start3A_363] : memref<8192x8x768xf32, #tpu.memory_space<hbm>> -> memref<8x8x768xf32, #tpu.memory_space<hbm>>
    tpu.enqueue_dma source(%arg7 : memref<8x8x768xf32, #tpu.memory_space<vmem>>) target(%dma_start3A_364 : memref<8x8x768xf32, #tpu.memory_space<hbm>>) target_semaphore(%arg11 : memref<!tpu.dma_semaphore, #tpu.memory_space<semaphore_mem>>)
    %dma_wait3A_365 = arith.constant 0 : i32
    %dma_wait3A_366 = arith.constant 0 : i32
    %dma_wait3A_367 = tpu.memref_slice %arg4[%add3A_358, %dma_wait3A_365, %dma_wait3A_366] : memref<8192x8x768xf32, #tpu.memory_space<hbm>> -> memref<8x8x768xf32, #tpu.memory_space<hbm>>
    %dma_wait3A_368 = arith.constant 0 : i32
    %dma_wait3A_369 = arith.constant 0 : i32
    %dma_wait3A_370 = tpu.memref_slice %arg4[%add3A_358, %dma_wait3A_368, %dma_wait3A_369] : memref<8192x8x768xf32, #tpu.memory_space<hbm>> -> memref<8x8x768xf32, #tpu.memory_space<hbm>>
    tpu.wait_dma2 semaphore(%arg11 : memref<!tpu.dma_semaphore, #tpu.memory_space<semaphore_mem>>) src(%arg7 : memref<8x8x768xf32, #tpu.memory_space<vmem>>) dst(%dma_wait3A_370 : memref<8x8x768xf32, #tpu.memory_space<hbm>>)
    %dma_start3A_371 = arith.constant 13 : i32
    %dma_start3A_372 = arith.constant 0 : i32
    %dma_start3A_373 = tpu.memref_slice %arg5[%dma_start3A_371, %dma_start3A_372] : memref<32x8xi32, #tpu.memory_space<vmem>> -> memref<1x8xi32, #tpu.memory_space<vmem>>
    %dma_start3A_374 = tpu.memref_squeeze %dma_start3A_373 : memref<1x8xi32, #tpu.memory_space<vmem>> -> memref<8xi32, #tpu.memory_space<vmem>>
    %dma_start3A_375 = arith.constant 0 : i32
    %dma_start3A_376 = arith.constant 0 : i32
    %dma_start3A_377 = arith.constant 0 : i32
    %dma_start3A_378 = tpu.memref_slice %arg2[%dma_start3A_375, %dma_start3A_376, %dma_start3A_377] : memref<16384x8x768xf32, #tpu.memory_space<hbm>> -> memref<16384x8x768xf32, #tpu.memory_space<hbm>>
    tpu.enqueue_indirect_dma source(%dma_start3A_378 : memref<16384x8x768xf32, #tpu.memory_space<hbm>>) target(%arg7 : memref<8x8x768xf32, #tpu.memory_space<vmem>>) offsets(%dma_start3A_374 : memref<8xi32, #tpu.memory_space<vmem>>) semaphore(%arg9 : memref<!tpu.dma_semaphore, #tpu.memory_space<semaphore_mem>>)
    %dma_wait3A_379 = arith.constant 12 : i32
    %dma_wait3A_380 = arith.constant 0 : i32
    %dma_wait3A_381 = tpu.memref_slice %arg5[%dma_wait3A_379, %dma_wait3A_380] : memref<32x8xi32, #tpu.memory_space<vmem>> -> memref<1x8xi32, #tpu.memory_space<vmem>>
    %dma_wait3A_382 = tpu.memref_squeeze %dma_wait3A_381 : memref<1x8xi32, #tpu.memory_space<vmem>> -> memref<8xi32, #tpu.memory_space<vmem>>
    %dma_wait3A_383 = arith.constant 0 : i32
    %dma_wait3A_384 = arith.constant 0 : i32
    %dma_wait3A_385 = arith.constant 0 : i32
    %dma_wait3A_386 = tpu.memref_slice %arg2[%dma_wait3A_383, %dma_wait3A_384, %dma_wait3A_385] : memref<16384x8x768xf32, #tpu.memory_space<hbm>> -> memref<16384x8x768xf32, #tpu.memory_space<hbm>>
    tpu.wait_indirect_dma semaphore(%arg8 : memref<!tpu.dma_semaphore, #tpu.memory_space<semaphore_mem>>) src(%dma_wait3A_386 : memref<16384x8x768xf32, #tpu.memory_space<hbm>>) dst(%arg6 : memref<8x8x768xf32, #tpu.memory_space<vmem>>)
    %add3A_387 = arith.constant 96 : i32
    %add3A_388 = arith.addi %mul3A_2, %add3A_387 : i32
    %dma_start3A_389 = arith.constant 0 : i32
    %dma_start3A_390 = arith.constant 0 : i32
    %dma_start3A_391 = tpu.memref_slice %arg4[%add3A_388, %dma_start3A_389, %dma_start3A_390] : memref<8192x8x768xf32, #tpu.memory_space<hbm>> -> memref<8x8x768xf32, #tpu.memory_space<hbm>>
    %dma_start3A_392 = arith.constant 0 : i32
    %dma_start3A_393 = arith.constant 0 : i32
    %dma_start3A_394 = tpu.memref_slice %arg4[%add3A_388, %dma_start3A_392, %dma_start3A_393] : memref<8192x8x768xf32, #tpu.memory_space<hbm>> -> memref<8x8x768xf32, #tpu.memory_space<hbm>>
    tpu.enqueue_dma source(%arg6 : memref<8x8x768xf32, #tpu.memory_space<vmem>>) target(%dma_start3A_394 : memref<8x8x768xf32, #tpu.memory_space<hbm>>) target_semaphore(%arg10 : memref<!tpu.dma_semaphore, #tpu.memory_space<semaphore_mem>>)
    %dma_wait3A_395 = arith.constant 0 : i32
    %dma_wait3A_396 = arith.constant 0 : i32
    %dma_wait3A_397 = tpu.memref_slice %arg4[%add3A_388, %dma_wait3A_395, %dma_wait3A_396] : memref<8192x8x768xf32, #tpu.memory_space<hbm>> -> memref<8x8x768xf32, #tpu.memory_space<hbm>>
    %dma_wait3A_398 = arith.constant 0 : i32
    %dma_wait3A_399 = arith.constant 0 : i32
    %dma_wait3A_400 = tpu.memref_slice %arg4[%add3A_388, %dma_wait3A_398, %dma_wait3A_399] : memref<8192x8x768xf32, #tpu.memory_space<hbm>> -> memref<8x8x768xf32, #tpu.memory_space<hbm>>
    tpu.wait_dma2 semaphore(%arg10 : memref<!tpu.dma_semaphore, #tpu.memory_space<semaphore_mem>>) src(%arg6 : memref<8x8x768xf32, #tpu.memory_space<vmem>>) dst(%dma_wait3A_400 : memref<8x8x768xf32, #tpu.memory_space<hbm>>)
    %dma_start3A_401 = arith.constant 14 : i32
    %dma_start3A_402 = arith.constant 0 : i32
    %dma_start3A_403 = tpu.memref_slice %arg5[%dma_start3A_401, %dma_start3A_402] : memref<32x8xi32, #tpu.memory_space<vmem>> -> memref<1x8xi32, #tpu.memory_space<vmem>>
    %dma_start3A_404 = tpu.memref_squeeze %dma_start3A_403 : memref<1x8xi32, #tpu.memory_space<vmem>> -> memref<8xi32, #tpu.memory_space<vmem>>
    %dma_start3A_405 = arith.constant 0 : i32
    %dma_start3A_406 = arith.constant 0 : i32
    %dma_start3A_407 = arith.constant 0 : i32
    %dma_start3A_408 = tpu.memref_slice %arg2[%dma_start3A_405, %dma_start3A_406, %dma_start3A_407] : memref<16384x8x768xf32, #tpu.memory_space<hbm>> -> memref<16384x8x768xf32, #tpu.memory_space<hbm>>
    tpu.enqueue_indirect_dma source(%dma_start3A_408 : memref<16384x8x768xf32, #tpu.memory_space<hbm>>) target(%arg6 : memref<8x8x768xf32, #tpu.memory_space<vmem>>) offsets(%dma_start3A_404 : memref<8xi32, #tpu.memory_space<vmem>>) semaphore(%arg8 : memref<!tpu.dma_semaphore, #tpu.memory_space<semaphore_mem>>)
    %dma_wait3A_409 = arith.constant 13 : i32
    %dma_wait3A_410 = arith.constant 0 : i32
    %dma_wait3A_411 = tpu.memref_slice %arg5[%dma_wait3A_409, %dma_wait3A_410] : memref<32x8xi32, #tpu.memory_space<vmem>> -> memref<1x8xi32, #tpu.memory_space<vmem>>
    %dma_wait3A_412 = tpu.memref_squeeze %dma_wait3A_411 : memref<1x8xi32, #tpu.memory_space<vmem>> -> memref<8xi32, #tpu.memory_space<vmem>>
    %dma_wait3A_413 = arith.constant 0 : i32
    %dma_wait3A_414 = arith.constant 0 : i32
    %dma_wait3A_415 = arith.constant 0 : i32
    %dma_wait3A_416 = tpu.memref_slice %arg2[%dma_wait3A_413, %dma_wait3A_414, %dma_wait3A_415] : memref<16384x8x768xf32, #tpu.memory_space<hbm>> -> memref<16384x8x768xf32, #tpu.memory_space<hbm>>
    tpu.wait_indirect_dma semaphore(%arg9 : memref<!tpu.dma_semaphore, #tpu.memory_space<semaphore_mem>>) src(%dma_wait3A_416 : memref<16384x8x768xf32, #tpu.memory_space<hbm>>) dst(%arg7 : memref<8x8x768xf32, #tpu.memory_space<vmem>>)
    %add3A_417 = arith.constant 104 : i32
    %add3A_418 = arith.addi %mul3A_2, %add3A_417 : i32
    %dma_start3A_419 = arith.constant 0 : i32
    %dma_start3A_420 = arith.constant 0 : i32
    %dma_start3A_421 = tpu.memref_slice %arg4[%add3A_418, %dma_start3A_419, %dma_start3A_420] : memref<8192x8x768xf32, #tpu.memory_space<hbm>> -> memref<8x8x768xf32, #tpu.memory_space<hbm>>
    %dma_start3A_422 = arith.constant 0 : i32
    %dma_start3A_423 = arith.constant 0 : i32
    %dma_start3A_424 = tpu.memref_slice %arg4[%add3A_418, %dma_start3A_422, %dma_start3A_423] : memref<8192x8x768xf32, #tpu.memory_space<hbm>> -> memref<8x8x768xf32, #tpu.memory_space<hbm>>
    tpu.enqueue_dma source(%arg7 : memref<8x8x768xf32, #tpu.memory_space<vmem>>) target(%dma_start3A_424 : memref<8x8x768xf32, #tpu.memory_space<hbm>>) target_semaphore(%arg11 : memref<!tpu.dma_semaphore, #tpu.memory_space<semaphore_mem>>)
    %dma_wait3A_425 = arith.constant 0 : i32
    %dma_wait3A_426 = arith.constant 0 : i32
    %dma_wait3A_427 = tpu.memref_slice %arg4[%add3A_418, %dma_wait3A_425, %dma_wait3A_426] : memref<8192x8x768xf32, #tpu.memory_space<hbm>> -> memref<8x8x768xf32, #tpu.memory_space<hbm>>
    %dma_wait3A_428 = arith.constant 0 : i32
    %dma_wait3A_429 = arith.constant 0 : i32
    %dma_wait3A_430 = tpu.memref_slice %arg4[%add3A_418, %dma_wait3A_428, %dma_wait3A_429] : memref<8192x8x768xf32, #tpu.memory_space<hbm>> -> memref<8x8x768xf32, #tpu.memory_space<hbm>>
    tpu.wait_dma2 semaphore(%arg11 : memref<!tpu.dma_semaphore, #tpu.memory_space<semaphore_mem>>) src(%arg7 : memref<8x8x768xf32, #tpu.memory_space<vmem>>) dst(%dma_wait3A_430 : memref<8x8x768xf32, #tpu.memory_space<hbm>>)
    %dma_start3A_431 = arith.constant 15 : i32
    %dma_start3A_432 = arith.constant 0 : i32
    %dma_start3A_433 = tpu.memref_slice %arg5[%dma_start3A_431, %dma_start3A_432] : memref<32x8xi32, #tpu.memory_space<vmem>> -> memref<1x8xi32, #tpu.memory_space<vmem>>
    %dma_start3A_434 = tpu.memref_squeeze %dma_start3A_433 : memref<1x8xi32, #tpu.memory_space<vmem>> -> memref<8xi32, #tpu.memory_space<vmem>>
    %dma_start3A_435 = arith.constant 0 : i32
    %dma_start3A_436 = arith.constant 0 : i32
    %dma_start3A_437 = arith.constant 0 : i32
    %dma_start3A_438 = tpu.memref_slice %arg2[%dma_start3A_435, %dma_start3A_436, %dma_start3A_437] : memref<16384x8x768xf32, #tpu.memory_space<hbm>> -> memref<16384x8x768xf32, #tpu.memory_space<hbm>>
    tpu.enqueue_indirect_dma source(%dma_start3A_438 : memref<16384x8x768xf32, #tpu.memory_space<hbm>>) target(%arg7 : memref<8x8x768xf32, #tpu.memory_space<vmem>>) offsets(%dma_start3A_434 : memref<8xi32, #tpu.memory_space<vmem>>) semaphore(%arg9 : memref<!tpu.dma_semaphore, #tpu.memory_space<semaphore_mem>>)
    %dma_wait3A_439 = arith.constant 14 : i32
    %dma_wait3A_440 = arith.constant 0 : i32
    %dma_wait3A_441 = tpu.memref_slice %arg5[%dma_wait3A_439, %dma_wait3A_440] : memref<32x8xi32, #tpu.memory_space<vmem>> -> memref<1x8xi32, #tpu.memory_space<vmem>>
    %dma_wait3A_442 = tpu.memref_squeeze %dma_wait3A_441 : memref<1x8xi32, #tpu.memory_space<vmem>> -> memref<8xi32, #tpu.memory_space<vmem>>
    %dma_wait3A_443 = arith.constant 0 : i32
    %dma_wait3A_444 = arith.constant 0 : i32
    %dma_wait3A_445 = arith.constant 0 : i32
    %dma_wait3A_446 = tpu.memref_slice %arg2[%dma_wait3A_443, %dma_wait3A_444, %dma_wait3A_445] : memref<16384x8x768xf32, #tpu.memory_space<hbm>> -> memref<16384x8x768xf32, #tpu.memory_space<hbm>>
    tpu.wait_indirect_dma semaphore(%arg8 : memref<!tpu.dma_semaphore, #tpu.memory_space<semaphore_mem>>) src(%dma_wait3A_446 : memref<16384x8x768xf32, #tpu.memory_space<hbm>>) dst(%arg6 : memref<8x8x768xf32, #tpu.memory_space<vmem>>)
    %add3A_447 = arith.constant 112 : i32
    %add3A_448 = arith.addi %mul3A_2, %add3A_447 : i32
    %dma_start3A_449 = arith.constant 0 : i32
    %dma_start3A_450 = arith.constant 0 : i32
    %dma_start3A_451 = tpu.memref_slice %arg4[%add3A_448, %dma_start3A_449, %dma_start3A_450] : memref<8192x8x768xf32, #tpu.memory_space<hbm>> -> memref<8x8x768xf32, #tpu.memory_space<hbm>>
    %dma_start3A_452 = arith.constant 0 : i32
    %dma_start3A_453 = arith.constant 0 : i32
    %dma_start3A_454 = tpu.memref_slice %arg4[%add3A_448, %dma_start3A_452, %dma_start3A_453] : memref<8192x8x768xf32, #tpu.memory_space<hbm>> -> memref<8x8x768xf32, #tpu.memory_space<hbm>>
    tpu.enqueue_dma source(%arg6 : memref<8x8x768xf32, #tpu.memory_space<vmem>>) target(%dma_start3A_454 : memref<8x8x768xf32, #tpu.memory_space<hbm>>) target_semaphore(%arg10 : memref<!tpu.dma_semaphore, #tpu.memory_space<semaphore_mem>>)
    %dma_wait3A_455 = arith.constant 0 : i32
    %dma_wait3A_456 = arith.constant 0 : i32
    %dma_wait3A_457 = tpu.memref_slice %arg4[%add3A_448, %dma_wait3A_455, %dma_wait3A_456] : memref<8192x8x768xf32, #tpu.memory_space<hbm>> -> memref<8x8x768xf32, #tpu.memory_space<hbm>>
    %dma_wait3A_458 = arith.constant 0 : i32
    %dma_wait3A_459 = arith.constant 0 : i32
    %dma_wait3A_460 = tpu.memref_slice %arg4[%add3A_448, %dma_wait3A_458, %dma_wait3A_459] : memref<8192x8x768xf32, #tpu.memory_space<hbm>> -> memref<8x8x768xf32, #tpu.memory_space<hbm>>
    tpu.wait_dma2 semaphore(%arg10 : memref<!tpu.dma_semaphore, #tpu.memory_space<semaphore_mem>>) src(%arg6 : memref<8x8x768xf32, #tpu.memory_space<vmem>>) dst(%dma_wait3A_460 : memref<8x8x768xf32, #tpu.memory_space<hbm>>)
    %dma_start3A_461 = arith.constant 16 : i32
    %dma_start3A_462 = arith.constant 0 : i32
    %dma_start3A_463 = tpu.memref_slice %arg5[%dma_start3A_461, %dma_start3A_462] : memref<32x8xi32, #tpu.memory_space<vmem>> -> memref<1x8xi32, #tpu.memory_space<vmem>>
    %dma_start3A_464 = tpu.memref_squeeze %dma_start3A_463 : memref<1x8xi32, #tpu.memory_space<vmem>> -> memref<8xi32, #tpu.memory_space<vmem>>
    %dma_start3A_465 = arith.constant 0 : i32
    %dma_start3A_466 = arith.constant 0 : i32
    %dma_start3A_467 = arith.constant 0 : i32
    %dma_start3A_468 = tpu.memref_slice %arg2[%dma_start3A_465, %dma_start3A_466, %dma_start3A_467] : memref<16384x8x768xf32, #tpu.memory_space<hbm>> -> memref<16384x8x768xf32, #tpu.memory_space<hbm>>
    tpu.enqueue_indirect_dma source(%dma_start3A_468 : memref<16384x8x768xf32, #tpu.memory_space<hbm>>) target(%arg6 : memref<8x8x768xf32, #tpu.memory_space<vmem>>) offsets(%dma_start3A_464 : memref<8xi32, #tpu.memory_space<vmem>>) semaphore(%arg8 : memref<!tpu.dma_semaphore, #tpu.memory_space<semaphore_mem>>)
    %dma_wait3A_469 = arith.constant 15 : i32
    %dma_wait3A_470 = arith.constant 0 : i32
    %dma_wait3A_471 = tpu.memref_slice %arg5[%dma_wait3A_469, %dma_wait3A_470] : memref<32x8xi32, #tpu.memory_space<vmem>> -> memref<1x8xi32, #tpu.memory_space<vmem>>
    %dma_wait3A_472 = tpu.memref_squeeze %dma_wait3A_471 : memref<1x8xi32, #tpu.memory_space<vmem>> -> memref<8xi32, #tpu.memory_space<vmem>>
    %dma_wait3A_473 = arith.constant 0 : i32
    %dma_wait3A_474 = arith.constant 0 : i32
    %dma_wait3A_475 = arith.constant 0 : i32
    %dma_wait3A_476 = tpu.memref_slice %arg2[%dma_wait3A_473, %dma_wait3A_474, %dma_wait3A_475] : memref<16384x8x768xf32, #tpu.memory_space<hbm>> -> memref<16384x8x768xf32, #tpu.memory_space<hbm>>
    tpu.wait_indirect_dma semaphore(%arg9 : memref<!tpu.dma_semaphore, #tpu.memory_space<semaphore_mem>>) src(%dma_wait3A_476 : memref<16384x8x768xf32, #tpu.memory_space<hbm>>) dst(%arg7 : memref<8x8x768xf32, #tpu.memory_space<vmem>>)
    %add3A_477 = arith.constant 120 : i32
    %add3A_478 = arith.addi %mul3A_2, %add3A_477 : i32
    %dma_start3A_479 = arith.constant 0 : i32
    %dma_start3A_480 = arith.constant 0 : i32
    %dma_start3A_481 = tpu.memref_slice %arg4[%add3A_478, %dma_start3A_479, %dma_start3A_480] : memref<8192x8x768xf32, #tpu.memory_space<hbm>> -> memref<8x8x768xf32, #tpu.memory_space<hbm>>
    %dma_start3A_482 = arith.constant 0 : i32
    %dma_start3A_483 = arith.constant 0 : i32
    %dma_start3A_484 = tpu.memref_slice %arg4[%add3A_478, %dma_start3A_482, %dma_start3A_483] : memref<8192x8x768xf32, #tpu.memory_space<hbm>> -> memref<8x8x768xf32, #tpu.memory_space<hbm>>
    tpu.enqueue_dma source(%arg7 : memref<8x8x768xf32, #tpu.memory_space<vmem>>) target(%dma_start3A_484 : memref<8x8x768xf32, #tpu.memory_space<hbm>>) target_semaphore(%arg11 : memref<!tpu.dma_semaphore, #tpu.memory_space<semaphore_mem>>)
    %dma_wait3A_485 = arith.constant 0 : i32
    %dma_wait3A_486 = arith.constant 0 : i32
    %dma_wait3A_487 = tpu.memref_slice %arg4[%add3A_478, %dma_wait3A_485, %dma_wait3A_486] : memref<8192x8x768xf32, #tpu.memory_space<hbm>> -> memref<8x8x768xf32, #tpu.memory_space<hbm>>
    %dma_wait3A_488 = arith.constant 0 : i32
    %dma_wait3A_489 = arith.constant 0 : i32
    %dma_wait3A_490 = tpu.memref_slice %arg4[%add3A_478, %dma_wait3A_488, %dma_wait3A_489] : memref<8192x8x768xf32, #tpu.memory_space<hbm>> -> memref<8x8x768xf32, #tpu.memory_space<hbm>>
    tpu.wait_dma2 semaphore(%arg11 : memref<!tpu.dma_semaphore, #tpu.memory_space<semaphore_mem>>) src(%arg7 : memref<8x8x768xf32, #tpu.memory_space<vmem>>) dst(%dma_wait3A_490 : memref<8x8x768xf32, #tpu.memory_space<hbm>>)
    %dma_start3A_491 = arith.constant 17 : i32
    %dma_start3A_492 = arith.constant 0 : i32
    %dma_start3A_493 = tpu.memref_slice %arg5[%dma_start3A_491, %dma_start3A_492] : memref<32x8xi32, #tpu.memory_space<vmem>> -> memref<1x8xi32, #tpu.memory_space<vmem>>
    %dma_start3A_494 = tpu.memref_squeeze %dma_start3A_493 : memref<1x8xi32, #tpu.memory_space<vmem>> -> memref<8xi32, #tpu.memory_space<vmem>>
    %dma_start3A_495 = arith.constant 0 : i32
    %dma_start3A_496 = arith.constant 0 : i32
    %dma_start3A_497 = arith.constant 0 : i32
    %dma_start3A_498 = tpu.memref_slice %arg2[%dma_start3A_495, %dma_start3A_496, %dma_start3A_497] : memref<16384x8x768xf32, #tpu.memory_space<hbm>> -> memref<16384x8x768xf32, #tpu.memory_space<hbm>>
    tpu.enqueue_indirect_dma source(%dma_start3A_498 : memref<16384x8x768xf32, #tpu.memory_space<hbm>>) target(%arg7 : memref<8x8x768xf32, #tpu.memory_space<vmem>>) offsets(%dma_start3A_494 : memref<8xi32, #tpu.memory_space<vmem>>) semaphore(%arg9 : memref<!tpu.dma_semaphore, #tpu.memory_space<semaphore_mem>>)
    %dma_wait3A_499 = arith.constant 16 : i32
    %dma_wait3A_500 = arith.constant 0 : i32
    %dma_wait3A_501 = tpu.memref_slice %arg5[%dma_wait3A_499, %dma_wait3A_500] : memref<32x8xi32, #tpu.memory_space<vmem>> -> memref<1x8xi32, #tpu.memory_space<vmem>>
    %dma_wait3A_502 = tpu.memref_squeeze %dma_wait3A_501 : memref<1x8xi32, #tpu.memory_space<vmem>> -> memref<8xi32, #tpu.memory_space<vmem>>
    %dma_wait3A_503 = arith.constant 0 : i32
    %dma_wait3A_504 = arith.constant 0 : i32
    %dma_wait3A_505 = arith.constant 0 : i32
    %dma_wait3A_506 = tpu.memref_slice %arg2[%dma_wait3A_503, %dma_wait3A_504, %dma_wait3A_505] : memref<16384x8x768xf32, #tpu.memory_space<hbm>> -> memref<16384x8x768xf32, #tpu.memory_space<hbm>>
    tpu.wait_indirect_dma semaphore(%arg8 : memref<!tpu.dma_semaphore, #tpu.memory_space<semaphore_mem>>) src(%dma_wait3A_506 : memref<16384x8x768xf32, #tpu.memory_space<hbm>>) dst(%arg6 : memref<8x8x768xf32, #tpu.memory_space<vmem>>)
    %add3A_507 = arith.constant 128 : i32
    %add3A_508 = arith.addi %mul3A_2, %add3A_507 : i32
    %dma_start3A_509 = arith.constant 0 : i32
    %dma_start3A_510 = arith.constant 0 : i32
    %dma_start3A_511 = tpu.memref_slice %arg4[%add3A_508, %dma_start3A_509, %dma_start3A_510] : memref<8192x8x768xf32, #tpu.memory_space<hbm>> -> memref<8x8x768xf32, #tpu.memory_space<hbm>>
    %dma_start3A_512 = arith.constant 0 : i32
    %dma_start3A_513 = arith.constant 0 : i32
    %dma_start3A_514 = tpu.memref_slice %arg4[%add3A_508, %dma_start3A_512, %dma_start3A_513] : memref<8192x8x768xf32, #tpu.memory_space<hbm>> -> memref<8x8x768xf32, #tpu.memory_space<hbm>>
    tpu.enqueue_dma source(%arg6 : memref<8x8x768xf32, #tpu.memory_space<vmem>>) target(%dma_start3A_514 : memref<8x8x768xf32, #tpu.memory_space<hbm>>) target_semaphore(%arg10 : memref<!tpu.dma_semaphore, #tpu.memory_space<semaphore_mem>>)
    %dma_wait3A_515 = arith.constant 0 : i32
    %dma_wait3A_516 = arith.constant 0 : i32
    %dma_wait3A_517 = tpu.memref_slice %arg4[%add3A_508, %dma_wait3A_515, %dma_wait3A_516] : memref<8192x8x768xf32, #tpu.memory_space<hbm>> -> memref<8x8x768xf32, #tpu.memory_space<hbm>>
    %dma_wait3A_518 = arith.constant 0 : i32
    %dma_wait3A_519 = arith.constant 0 : i32
    %dma_wait3A_520 = tpu.memref_slice %arg4[%add3A_508, %dma_wait3A_518, %dma_wait3A_519] : memref<8192x8x768xf32, #tpu.memory_space<hbm>> -> memref<8x8x768xf32, #tpu.memory_space<hbm>>
    tpu.wait_dma2 semaphore(%arg10 : memref<!tpu.dma_semaphore, #tpu.memory_space<semaphore_mem>>) src(%arg6 : memref<8x8x768xf32, #tpu.memory_space<vmem>>) dst(%dma_wait3A_520 : memref<8x8x768xf32, #tpu.memory_space<hbm>>)
    %dma_start3A_521 = arith.constant 18 : i32
    %dma_start3A_522 = arith.constant 0 : i32
    %dma_start3A_523 = tpu.memref_slice %arg5[%dma_start3A_521, %dma_start3A_522] : memref<32x8xi32, #tpu.memory_space<vmem>> -> memref<1x8xi32, #tpu.memory_space<vmem>>
    %dma_start3A_524 = tpu.memref_squeeze %dma_start3A_523 : memref<1x8xi32, #tpu.memory_space<vmem>> -> memref<8xi32, #tpu.memory_space<vmem>>
    %dma_start3A_525 = arith.constant 0 : i32
    %dma_start3A_526 = arith.constant 0 : i32
    %dma_start3A_527 = arith.constant 0 : i32
    %dma_start3A_528 = tpu.memref_slice %arg2[%dma_start3A_525, %dma_start3A_526, %dma_start3A_527] : memref<16384x8x768xf32, #tpu.memory_space<hbm>> -> memref<16384x8x768xf32, #tpu.memory_space<hbm>>
    tpu.enqueue_indirect_dma source(%dma_start3A_528 : memref<16384x8x768xf32, #tpu.memory_space<hbm>>) target(%arg6 : memref<8x8x768xf32, #tpu.memory_space<vmem>>) offsets(%dma_start3A_524 : memref<8xi32, #tpu.memory_space<vmem>>) semaphore(%arg8 : memref<!tpu.dma_semaphore, #tpu.memory_space<semaphore_mem>>)
    %dma_wait3A_529 = arith.constant 17 : i32
    %dma_wait3A_530 = arith.constant 0 : i32
    %dma_wait3A_531 = tpu.memref_slice %arg5[%dma_wait3A_529, %dma_wait3A_530] : memref<32x8xi32, #tpu.memory_space<vmem>> -> memref<1x8xi32, #tpu.memory_space<vmem>>
    %dma_wait3A_532 = tpu.memref_squeeze %dma_wait3A_531 : memref<1x8xi32, #tpu.memory_space<vmem>> -> memref<8xi32, #tpu.memory_space<vmem>>
    %dma_wait3A_533 = arith.constant 0 : i32
    %dma_wait3A_534 = arith.constant 0 : i32
    %dma_wait3A_535 = arith.constant 0 : i32
    %dma_wait3A_536 = tpu.memref_slice %arg2[%dma_wait3A_533, %dma_wait3A_534, %dma_wait3A_535] : memref<16384x8x768xf32, #tpu.memory_space<hbm>> -> memref<16384x8x768xf32, #tpu.memory_space<hbm>>
    tpu.wait_indirect_dma semaphore(%arg9 : memref<!tpu.dma_semaphore, #tpu.memory_space<semaphore_mem>>) src(%dma_wait3A_536 : memref<16384x8x768xf32, #tpu.memory_space<hbm>>) dst(%arg7 : memref<8x8x768xf32, #tpu.memory_space<vmem>>)
    %add3A_537 = arith.constant 136 : i32
    %add3A_538 = arith.addi %mul3A_2, %add3A_537 : i32
    %dma_start3A_539 = arith.constant 0 : i32
    %dma_start3A_540 = arith.constant 0 : i32
    %dma_start3A_541 = tpu.memref_slice %arg4[%add3A_538, %dma_start3A_539, %dma_start3A_540] : memref<8192x8x768xf32, #tpu.memory_space<hbm>> -> memref<8x8x768xf32, #tpu.memory_space<hbm>>
    %dma_start3A_542 = arith.constant 0 : i32
    %dma_start3A_543 = arith.constant 0 : i32
    %dma_start3A_544 = tpu.memref_slice %arg4[%add3A_538, %dma_start3A_542, %dma_start3A_543] : memref<8192x8x768xf32, #tpu.memory_space<hbm>> -> memref<8x8x768xf32, #tpu.memory_space<hbm>>
    tpu.enqueue_dma source(%arg7 : memref<8x8x768xf32, #tpu.memory_space<vmem>>) target(%dma_start3A_544 : memref<8x8x768xf32, #tpu.memory_space<hbm>>) target_semaphore(%arg11 : memref<!tpu.dma_semaphore, #tpu.memory_space<semaphore_mem>>)
    %dma_wait3A_545 = arith.constant 0 : i32
    %dma_wait3A_546 = arith.constant 0 : i32
    %dma_wait3A_547 = tpu.memref_slice %arg4[%add3A_538, %dma_wait3A_545, %dma_wait3A_546] : memref<8192x8x768xf32, #tpu.memory_space<hbm>> -> memref<8x8x768xf32, #tpu.memory_space<hbm>>
    %dma_wait3A_548 = arith.constant 0 : i32
    %dma_wait3A_549 = arith.constant 0 : i32
    %dma_wait3A_550 = tpu.memref_slice %arg4[%add3A_538, %dma_wait3A_548, %dma_wait3A_549] : memref<8192x8x768xf32, #tpu.memory_space<hbm>> -> memref<8x8x768xf32, #tpu.memory_space<hbm>>
    tpu.wait_dma2 semaphore(%arg11 : memref<!tpu.dma_semaphore, #tpu.memory_space<semaphore_mem>>) src(%arg7 : memref<8x8x768xf32, #tpu.memory_space<vmem>>) dst(%dma_wait3A_550 : memref<8x8x768xf32, #tpu.memory_space<hbm>>)
    %dma_start3A_551 = arith.constant 19 : i32
    %dma_start3A_552 = arith.constant 0 : i32
    %dma_start3A_553 = tpu.memref_slice %arg5[%dma_start3A_551, %dma_start3A_552] : memref<32x8xi32, #tpu.memory_space<vmem>> -> memref<1x8xi32, #tpu.memory_space<vmem>>
    %dma_start3A_554 = tpu.memref_squeeze %dma_start3A_553 : memref<1x8xi32, #tpu.memory_space<vmem>> -> memref<8xi32, #tpu.memory_space<vmem>>
    %dma_start3A_555 = arith.constant 0 : i32
    %dma_start3A_556 = arith.constant 0 : i32
    %dma_start3A_557 = arith.constant 0 : i32
    %dma_start3A_558 = tpu.memref_slice %arg2[%dma_start3A_555, %dma_start3A_556, %dma_start3A_557] : memref<16384x8x768xf32, #tpu.memory_space<hbm>> -> memref<16384x8x768xf32, #tpu.memory_space<hbm>>
    tpu.enqueue_indirect_dma source(%dma_start3A_558 : memref<16384x8x768xf32, #tpu.memory_space<hbm>>) target(%arg7 : memref<8x8x768xf32, #tpu.memory_space<vmem>>) offsets(%dma_start3A_554 : memref<8xi32, #tpu.memory_space<vmem>>) semaphore(%arg9 : memref<!tpu.dma_semaphore, #tpu.memory_space<semaphore_mem>>)
    %dma_wait3A_559 = arith.constant 18 : i32
    %dma_wait3A_560 = arith.constant 0 : i32
    %dma_wait3A_561 = tpu.memref_slice %arg5[%dma_wait3A_559, %dma_wait3A_560] : memref<32x8xi32, #tpu.memory_space<vmem>> -> memref<1x8xi32, #tpu.memory_space<vmem>>
    %dma_wait3A_562 = tpu.memref_squeeze %dma_wait3A_561 : memref<1x8xi32, #tpu.memory_space<vmem>> -> memref<8xi32, #tpu.memory_space<vmem>>
    %dma_wait3A_563 = arith.constant 0 : i32
    %dma_wait3A_564 = arith.constant 0 : i32
    %dma_wait3A_565 = arith.constant 0 : i32
    %dma_wait3A_566 = tpu.memref_slice %arg2[%dma_wait3A_563, %dma_wait3A_564, %dma_wait3A_565] : memref<16384x8x768xf32, #tpu.memory_space<hbm>> -> memref<16384x8x768xf32, #tpu.memory_space<hbm>>
    tpu.wait_indirect_dma semaphore(%arg8 : memref<!tpu.dma_semaphore, #tpu.memory_space<semaphore_mem>>) src(%dma_wait3A_566 : memref<16384x8x768xf32, #tpu.memory_space<hbm>>) dst(%arg6 : memref<8x8x768xf32, #tpu.memory_space<vmem>>)
    %add3A_567 = arith.constant 144 : i32
    %add3A_568 = arith.addi %mul3A_2, %add3A_567 : i32
    %dma_start3A_569 = arith.constant 0 : i32
    %dma_start3A_570 = arith.constant 0 : i32
    %dma_start3A_571 = tpu.memref_slice %arg4[%add3A_568, %dma_start3A_569, %dma_start3A_570] : memref<8192x8x768xf32, #tpu.memory_space<hbm>> -> memref<8x8x768xf32, #tpu.memory_space<hbm>>
    %dma_start3A_572 = arith.constant 0 : i32
    %dma_start3A_573 = arith.constant 0 : i32
    %dma_start3A_574 = tpu.memref_slice %arg4[%add3A_568, %dma_start3A_572, %dma_start3A_573] : memref<8192x8x768xf32, #tpu.memory_space<hbm>> -> memref<8x8x768xf32, #tpu.memory_space<hbm>>
    tpu.enqueue_dma source(%arg6 : memref<8x8x768xf32, #tpu.memory_space<vmem>>) target(%dma_start3A_574 : memref<8x8x768xf32, #tpu.memory_space<hbm>>) target_semaphore(%arg10 : memref<!tpu.dma_semaphore, #tpu.memory_space<semaphore_mem>>)
    %dma_wait3A_575 = arith.constant 0 : i32
    %dma_wait3A_576 = arith.constant 0 : i32
    %dma_wait3A_577 = tpu.memref_slice %arg4[%add3A_568, %dma_wait3A_575, %dma_wait3A_576] : memref<8192x8x768xf32, #tpu.memory_space<hbm>> -> memref<8x8x768xf32, #tpu.memory_space<hbm>>
    %dma_wait3A_578 = arith.constant 0 : i32
    %dma_wait3A_579 = arith.constant 0 : i32
    %dma_wait3A_580 = tpu.memref_slice %arg4[%add3A_568, %dma_wait3A_578, %dma_wait3A_579] : memref<8192x8x768xf32, #tpu.memory_space<hbm>> -> memref<8x8x768xf32, #tpu.memory_space<hbm>>
    tpu.wait_dma2 semaphore(%arg10 : memref<!tpu.dma_semaphore, #tpu.memory_space<semaphore_mem>>) src(%arg6 : memref<8x8x768xf32, #tpu.memory_space<vmem>>) dst(%dma_wait3A_580 : memref<8x8x768xf32, #tpu.memory_space<hbm>>)
    %dma_start3A_581 = arith.constant 20 : i32
    %dma_start3A_582 = arith.constant 0 : i32
    %dma_start3A_583 = tpu.memref_slice %arg5[%dma_start3A_581, %dma_start3A_582] : memref<32x8xi32, #tpu.memory_space<vmem>> -> memref<1x8xi32, #tpu.memory_space<vmem>>
    %dma_start3A_584 = tpu.memref_squeeze %dma_start3A_583 : memref<1x8xi32, #tpu.memory_space<vmem>> -> memref<8xi32, #tpu.memory_space<vmem>>
    %dma_start3A_585 = arith.constant 0 : i32
    %dma_start3A_586 = arith.constant 0 : i32
    %dma_start3A_587 = arith.constant 0 : i32
    %dma_start3A_588 = tpu.memref_slice %arg2[%dma_start3A_585, %dma_start3A_586, %dma_start3A_587] : memref<16384x8x768xf32, #tpu.memory_space<hbm>> -> memref<16384x8x768xf32, #tpu.memory_space<hbm>>
    tpu.enqueue_indirect_dma source(%dma_start3A_588 : memref<16384x8x768xf32, #tpu.memory_space<hbm>>) target(%arg6 : memref<8x8x768xf32, #tpu.memory_space<vmem>>) offsets(%dma_start3A_584 : memref<8xi32, #tpu.memory_space<vmem>>) semaphore(%arg8 : memref<!tpu.dma_semaphore, #tpu.memory_space<semaphore_mem>>)
    %dma_wait3A_589 = arith.constant 19 : i32
    %dma_wait3A_590 = arith.constant 0 : i32
    %dma_wait3A_591 = tpu.memref_slice %arg5[%dma_wait3A_589, %dma_wait3A_590] : memref<32x8xi32, #tpu.memory_space<vmem>> -> memref<1x8xi32, #tpu.memory_space<vmem>>
    %dma_wait3A_592 = tpu.memref_squeeze %dma_wait3A_591 : memref<1x8xi32, #tpu.memory_space<vmem>> -> memref<8xi32, #tpu.memory_space<vmem>>
    %dma_wait3A_593 = arith.constant 0 : i32
    %dma_wait3A_594 = arith.constant 0 : i32
    %dma_wait3A_595 = arith.constant 0 : i32
    %dma_wait3A_596 = tpu.memref_slice %arg2[%dma_wait3A_593, %dma_wait3A_594, %dma_wait3A_595] : memref<16384x8x768xf32, #tpu.memory_space<hbm>> -> memref<16384x8x768xf32, #tpu.memory_space<hbm>>
    tpu.wait_indirect_dma semaphore(%arg9 : memref<!tpu.dma_semaphore, #tpu.memory_space<semaphore_mem>>) src(%dma_wait3A_596 : memref<16384x8x768xf32, #tpu.memory_space<hbm>>) dst(%arg7 : memref<8x8x768xf32, #tpu.memory_space<vmem>>)
    %add3A_597 = arith.constant 152 : i32
    %add3A_598 = arith.addi %mul3A_2, %add3A_597 : i32
    %dma_start3A_599 = arith.constant 0 : i32
    %dma_start3A_600 = arith.constant 0 : i32
    %dma_start3A_601 = tpu.memref_slice %arg4[%add3A_598, %dma_start3A_599, %dma_start3A_600] : memref<8192x8x768xf32, #tpu.memory_space<hbm>> -> memref<8x8x768xf32, #tpu.memory_space<hbm>>
    %dma_start3A_602 = arith.constant 0 : i32
    %dma_start3A_603 = arith.constant 0 : i32
    %dma_start3A_604 = tpu.memref_slice %arg4[%add3A_598, %dma_start3A_602, %dma_start3A_603] : memref<8192x8x768xf32, #tpu.memory_space<hbm>> -> memref<8x8x768xf32, #tpu.memory_space<hbm>>
    tpu.enqueue_dma source(%arg7 : memref<8x8x768xf32, #tpu.memory_space<vmem>>) target(%dma_start3A_604 : memref<8x8x768xf32, #tpu.memory_space<hbm>>) target_semaphore(%arg11 : memref<!tpu.dma_semaphore, #tpu.memory_space<semaphore_mem>>)
    %dma_wait3A_605 = arith.constant 0 : i32
    %dma_wait3A_606 = arith.constant 0 : i32
    %dma_wait3A_607 = tpu.memref_slice %arg4[%add3A_598, %dma_wait3A_605, %dma_wait3A_606] : memref<8192x8x768xf32, #tpu.memory_space<hbm>> -> memref<8x8x768xf32, #tpu.memory_space<hbm>>
    %dma_wait3A_608 = arith.constant 0 : i32
    %dma_wait3A_609 = arith.constant 0 : i32
    %dma_wait3A_610 = tpu.memref_slice %arg4[%add3A_598, %dma_wait3A_608, %dma_wait3A_609] : memref<8192x8x768xf32, #tpu.memory_space<hbm>> -> memref<8x8x768xf32, #tpu.memory_space<hbm>>
    tpu.wait_dma2 semaphore(%arg11 : memref<!tpu.dma_semaphore, #tpu.memory_space<semaphore_mem>>) src(%arg7 : memref<8x8x768xf32, #tpu.memory_space<vmem>>) dst(%dma_wait3A_610 : memref<8x8x768xf32, #tpu.memory_space<hbm>>)
    %dma_start3A_611 = arith.constant 21 : i32
    %dma_start3A_612 = arith.constant 0 : i32
    %dma_start3A_613 = tpu.memref_slice %arg5[%dma_start3A_611, %dma_start3A_612] : memref<32x8xi32, #tpu.memory_space<vmem>> -> memref<1x8xi32, #tpu.memory_space<vmem>>
    %dma_start3A_614 = tpu.memref_squeeze %dma_start3A_613 : memref<1x8xi32, #tpu.memory_space<vmem>> -> memref<8xi32, #tpu.memory_space<vmem>>
    %dma_start3A_615 = arith.constant 0 : i32
    %dma_start3A_616 = arith.constant 0 : i32
    %dma_start3A_617 = arith.constant 0 : i32
    %dma_start3A_618 = tpu.memref_slice %arg2[%dma_start3A_615, %dma_start3A_616, %dma_start3A_617] : memref<16384x8x768xf32, #tpu.memory_space<hbm>> -> memref<16384x8x768xf32, #tpu.memory_space<hbm>>
    tpu.enqueue_indirect_dma source(%dma_start3A_618 : memref<16384x8x768xf32, #tpu.memory_space<hbm>>) target(%arg7 : memref<8x8x768xf32, #tpu.memory_space<vmem>>) offsets(%dma_start3A_614 : memref<8xi32, #tpu.memory_space<vmem>>) semaphore(%arg9 : memref<!tpu.dma_semaphore, #tpu.memory_space<semaphore_mem>>)
    %dma_wait3A_619 = arith.constant 20 : i32
    %dma_wait3A_620 = arith.constant 0 : i32
    %dma_wait3A_621 = tpu.memref_slice %arg5[%dma_wait3A_619, %dma_wait3A_620] : memref<32x8xi32, #tpu.memory_space<vmem>> -> memref<1x8xi32, #tpu.memory_space<vmem>>
    %dma_wait3A_622 = tpu.memref_squeeze %dma_wait3A_621 : memref<1x8xi32, #tpu.memory_space<vmem>> -> memref<8xi32, #tpu.memory_space<vmem>>
    %dma_wait3A_623 = arith.constant 0 : i32
    %dma_wait3A_624 = arith.constant 0 : i32
    %dma_wait3A_625 = arith.constant 0 : i32
    %dma_wait3A_626 = tpu.memref_slice %arg2[%dma_wait3A_623, %dma_wait3A_624, %dma_wait3A_625] : memref<16384x8x768xf32, #tpu.memory_space<hbm>> -> memref<16384x8x768xf32, #tpu.memory_space<hbm>>
    tpu.wait_indirect_dma semaphore(%arg8 : memref<!tpu.dma_semaphore, #tpu.memory_space<semaphore_mem>>) src(%dma_wait3A_626 : memref<16384x8x768xf32, #tpu.memory_space<hbm>>) dst(%arg6 : memref<8x8x768xf32, #tpu.memory_space<vmem>>)
    %add3A_627 = arith.constant 160 : i32
    %add3A_628 = arith.addi %mul3A_2, %add3A_627 : i32
    %dma_start3A_629 = arith.constant 0 : i32
    %dma_start3A_630 = arith.constant 0 : i32
    %dma_start3A_631 = tpu.memref_slice %arg4[%add3A_628, %dma_start3A_629, %dma_start3A_630] : memref<8192x8x768xf32, #tpu.memory_space<hbm>> -> memref<8x8x768xf32, #tpu.memory_space<hbm>>
    %dma_start3A_632 = arith.constant 0 : i32
    %dma_start3A_633 = arith.constant 0 : i32
    %dma_start3A_634 = tpu.memref_slice %arg4[%add3A_628, %dma_start3A_632, %dma_start3A_633] : memref<8192x8x768xf32, #tpu.memory_space<hbm>> -> memref<8x8x768xf32, #tpu.memory_space<hbm>>
    tpu.enqueue_dma source(%arg6 : memref<8x8x768xf32, #tpu.memory_space<vmem>>) target(%dma_start3A_634 : memref<8x8x768xf32, #tpu.memory_space<hbm>>) target_semaphore(%arg10 : memref<!tpu.dma_semaphore, #tpu.memory_space<semaphore_mem>>)
    %dma_wait3A_635 = arith.constant 0 : i32
    %dma_wait3A_636 = arith.constant 0 : i32
    %dma_wait3A_637 = tpu.memref_slice %arg4[%add3A_628, %dma_wait3A_635, %dma_wait3A_636] : memref<8192x8x768xf32, #tpu.memory_space<hbm>> -> memref<8x8x768xf32, #tpu.memory_space<hbm>>
    %dma_wait3A_638 = arith.constant 0 : i32
    %dma_wait3A_639 = arith.constant 0 : i32
    %dma_wait3A_640 = tpu.memref_slice %arg4[%add3A_628, %dma_wait3A_638, %dma_wait3A_639] : memref<8192x8x768xf32, #tpu.memory_space<hbm>> -> memref<8x8x768xf32, #tpu.memory_space<hbm>>
    tpu.wait_dma2 semaphore(%arg10 : memref<!tpu.dma_semaphore, #tpu.memory_space<semaphore_mem>>) src(%arg6 : memref<8x8x768xf32, #tpu.memory_space<vmem>>) dst(%dma_wait3A_640 : memref<8x8x768xf32, #tpu.memory_space<hbm>>)
    %dma_start3A_641 = arith.constant 22 : i32
    %dma_start3A_642 = arith.constant 0 : i32
    %dma_start3A_643 = tpu.memref_slice %arg5[%dma_start3A_641, %dma_start3A_642] : memref<32x8xi32, #tpu.memory_space<vmem>> -> memref<1x8xi32, #tpu.memory_space<vmem>>
    %dma_start3A_644 = tpu.memref_squeeze %dma_start3A_643 : memref<1x8xi32, #tpu.memory_space<vmem>> -> memref<8xi32, #tpu.memory_space<vmem>>
    %dma_start3A_645 = arith.constant 0 : i32
    %dma_start3A_646 = arith.constant 0 : i32
    %dma_start3A_647 = arith.constant 0 : i32
    %dma_start3A_648 = tpu.memref_slice %arg2[%dma_start3A_645, %dma_start3A_646, %dma_start3A_647] : memref<16384x8x768xf32, #tpu.memory_space<hbm>> -> memref<16384x8x768xf32, #tpu.memory_space<hbm>>
    tpu.enqueue_indirect_dma source(%dma_start3A_648 : memref<16384x8x768xf32, #tpu.memory_space<hbm>>) target(%arg6 : memref<8x8x768xf32, #tpu.memory_space<vmem>>) offsets(%dma_start3A_644 : memref<8xi32, #tpu.memory_space<vmem>>) semaphore(%arg8 : memref<!tpu.dma_semaphore, #tpu.memory_space<semaphore_mem>>)
    %dma_wait3A_649 = arith.constant 21 : i32
    %dma_wait3A_650 = arith.constant 0 : i32
    %dma_wait3A_651 = tpu.memref_slice %arg5[%dma_wait3A_649, %dma_wait3A_650] : memref<32x8xi32, #tpu.memory_space<vmem>> -> memref<1x8xi32, #tpu.memory_space<vmem>>
    %dma_wait3A_652 = tpu.memref_squeeze %dma_wait3A_651 : memref<1x8xi32, #tpu.memory_space<vmem>> -> memref<8xi32, #tpu.memory_space<vmem>>
    %dma_wait3A_653 = arith.constant 0 : i32
    %dma_wait3A_654 = arith.constant 0 : i32
    %dma_wait3A_655 = arith.constant 0 : i32
    %dma_wait3A_656 = tpu.memref_slice %arg2[%dma_wait3A_653, %dma_wait3A_654, %dma_wait3A_655] : memref<16384x8x768xf32, #tpu.memory_space<hbm>> -> memref<16384x8x768xf32, #tpu.memory_space<hbm>>
    tpu.wait_indirect_dma semaphore(%arg9 : memref<!tpu.dma_semaphore, #tpu.memory_space<semaphore_mem>>) src(%dma_wait3A_656 : memref<16384x8x768xf32, #tpu.memory_space<hbm>>) dst(%arg7 : memref<8x8x768xf32, #tpu.memory_space<vmem>>)
    %add3A_657 = arith.constant 168 : i32
    %add3A_658 = arith.addi %mul3A_2, %add3A_657 : i32
    %dma_start3A_659 = arith.constant 0 : i32
    %dma_start3A_660 = arith.constant 0 : i32
    %dma_start3A_661 = tpu.memref_slice %arg4[%add3A_658, %dma_start3A_659, %dma_start3A_660] : memref<8192x8x768xf32, #tpu.memory_space<hbm>> -> memref<8x8x768xf32, #tpu.memory_space<hbm>>
    %dma_start3A_662 = arith.constant 0 : i32
    %dma_start3A_663 = arith.constant 0 : i32
    %dma_start3A_664 = tpu.memref_slice %arg4[%add3A_658, %dma_start3A_662, %dma_start3A_663] : memref<8192x8x768xf32, #tpu.memory_space<hbm>> -> memref<8x8x768xf32, #tpu.memory_space<hbm>>
    tpu.enqueue_dma source(%arg7 : memref<8x8x768xf32, #tpu.memory_space<vmem>>) target(%dma_start3A_664 : memref<8x8x768xf32, #tpu.memory_space<hbm>>) target_semaphore(%arg11 : memref<!tpu.dma_semaphore, #tpu.memory_space<semaphore_mem>>)
    %dma_wait3A_665 = arith.constant 0 : i32
    %dma_wait3A_666 = arith.constant 0 : i32
    %dma_wait3A_667 = tpu.memref_slice %arg4[%add3A_658, %dma_wait3A_665, %dma_wait3A_666] : memref<8192x8x768xf32, #tpu.memory_space<hbm>> -> memref<8x8x768xf32, #tpu.memory_space<hbm>>
    %dma_wait3A_668 = arith.constant 0 : i32
    %dma_wait3A_669 = arith.constant 0 : i32
    %dma_wait3A_670 = tpu.memref_slice %arg4[%add3A_658, %dma_wait3A_668, %dma_wait3A_669] : memref<8192x8x768xf32, #tpu.memory_space<hbm>> -> memref<8x8x768xf32, #tpu.memory_space<hbm>>
    tpu.wait_dma2 semaphore(%arg11 : memref<!tpu.dma_semaphore, #tpu.memory_space<semaphore_mem>>) src(%arg7 : memref<8x8x768xf32, #tpu.memory_space<vmem>>) dst(%dma_wait3A_670 : memref<8x8x768xf32, #tpu.memory_space<hbm>>)
    %dma_start3A_671 = arith.constant 23 : i32
    %dma_start3A_672 = arith.constant 0 : i32
    %dma_start3A_673 = tpu.memref_slice %arg5[%dma_start3A_671, %dma_start3A_672] : memref<32x8xi32, #tpu.memory_space<vmem>> -> memref<1x8xi32, #tpu.memory_space<vmem>>
    %dma_start3A_674 = tpu.memref_squeeze %dma_start3A_673 : memref<1x8xi32, #tpu.memory_space<vmem>> -> memref<8xi32, #tpu.memory_space<vmem>>
    %dma_start3A_675 = arith.constant 0 : i32
    %dma_start3A_676 = arith.constant 0 : i32
    %dma_start3A_677 = arith.constant 0 : i32
    %dma_start3A_678 = tpu.memref_slice %arg2[%dma_start3A_675, %dma_start3A_676, %dma_start3A_677] : memref<16384x8x768xf32, #tpu.memory_space<hbm>> -> memref<16384x8x768xf32, #tpu.memory_space<hbm>>
    tpu.enqueue_indirect_dma source(%dma_start3A_678 : memref<16384x8x768xf32, #tpu.memory_space<hbm>>) target(%arg7 : memref<8x8x768xf32, #tpu.memory_space<vmem>>) offsets(%dma_start3A_674 : memref<8xi32, #tpu.memory_space<vmem>>) semaphore(%arg9 : memref<!tpu.dma_semaphore, #tpu.memory_space<semaphore_mem>>)
    %dma_wait3A_679 = arith.constant 22 : i32
    %dma_wait3A_680 = arith.constant 0 : i32
    %dma_wait3A_681 = tpu.memref_slice %arg5[%dma_wait3A_679, %dma_wait3A_680] : memref<32x8xi32, #tpu.memory_space<vmem>> -> memref<1x8xi32, #tpu.memory_space<vmem>>
    %dma_wait3A_682 = tpu.memref_squeeze %dma_wait3A_681 : memref<1x8xi32, #tpu.memory_space<vmem>> -> memref<8xi32, #tpu.memory_space<vmem>>
    %dma_wait3A_683 = arith.constant 0 : i32
    %dma_wait3A_684 = arith.constant 0 : i32
    %dma_wait3A_685 = arith.constant 0 : i32
    %dma_wait3A_686 = tpu.memref_slice %arg2[%dma_wait3A_683, %dma_wait3A_684, %dma_wait3A_685] : memref<16384x8x768xf32, #tpu.memory_space<hbm>> -> memref<16384x8x768xf32, #tpu.memory_space<hbm>>
    tpu.wait_indirect_dma semaphore(%arg8 : memref<!tpu.dma_semaphore, #tpu.memory_space<semaphore_mem>>) src(%dma_wait3A_686 : memref<16384x8x768xf32, #tpu.memory_space<hbm>>) dst(%arg6 : memref<8x8x768xf32, #tpu.memory_space<vmem>>)
    %add3A_687 = arith.constant 176 : i32
    %add3A_688 = arith.addi %mul3A_2, %add3A_687 : i32
    %dma_start3A_689 = arith.constant 0 : i32
    %dma_start3A_690 = arith.constant 0 : i32
    %dma_start3A_691 = tpu.memref_slice %arg4[%add3A_688, %dma_start3A_689, %dma_start3A_690] : memref<8192x8x768xf32, #tpu.memory_space<hbm>> -> memref<8x8x768xf32, #tpu.memory_space<hbm>>
    %dma_start3A_692 = arith.constant 0 : i32
    %dma_start3A_693 = arith.constant 0 : i32
    %dma_start3A_694 = tpu.memref_slice %arg4[%add3A_688, %dma_start3A_692, %dma_start3A_693] : memref<8192x8x768xf32, #tpu.memory_space<hbm>> -> memref<8x8x768xf32, #tpu.memory_space<hbm>>
    tpu.enqueue_dma source(%arg6 : memref<8x8x768xf32, #tpu.memory_space<vmem>>) target(%dma_start3A_694 : memref<8x8x768xf32, #tpu.memory_space<hbm>>) target_semaphore(%arg10 : memref<!tpu.dma_semaphore, #tpu.memory_space<semaphore_mem>>)
    %dma_wait3A_695 = arith.constant 0 : i32
    %dma_wait3A_696 = arith.constant 0 : i32
    %dma_wait3A_697 = tpu.memref_slice %arg4[%add3A_688, %dma_wait3A_695, %dma_wait3A_696] : memref<8192x8x768xf32, #tpu.memory_space<hbm>> -> memref<8x8x768xf32, #tpu.memory_space<hbm>>
    %dma_wait3A_698 = arith.constant 0 : i32
    %dma_wait3A_699 = arith.constant 0 : i32
    %dma_wait3A_700 = tpu.memref_slice %arg4[%add3A_688, %dma_wait3A_698, %dma_wait3A_699] : memref<8192x8x768xf32, #tpu.memory_space<hbm>> -> memref<8x8x768xf32, #tpu.memory_space<hbm>>
    tpu.wait_dma2 semaphore(%arg10 : memref<!tpu.dma_semaphore, #tpu.memory_space<semaphore_mem>>) src(%arg6 : memref<8x8x768xf32, #tpu.memory_space<vmem>>) dst(%dma_wait3A_700 : memref<8x8x768xf32, #tpu.memory_space<hbm>>)
    %dma_start3A_701 = arith.constant 24 : i32
    %dma_start3A_702 = arith.constant 0 : i32
    %dma_start3A_703 = tpu.memref_slice %arg5[%dma_start3A_701, %dma_start3A_702] : memref<32x8xi32, #tpu.memory_space<vmem>> -> memref<1x8xi32, #tpu.memory_space<vmem>>
    %dma_start3A_704 = tpu.memref_squeeze %dma_start3A_703 : memref<1x8xi32, #tpu.memory_space<vmem>> -> memref<8xi32, #tpu.memory_space<vmem>>
    %dma_start3A_705 = arith.constant 0 : i32
    %dma_start3A_706 = arith.constant 0 : i32
    %dma_start3A_707 = arith.constant 0 : i32
    %dma_start3A_708 = tpu.memref_slice %arg2[%dma_start3A_705, %dma_start3A_706, %dma_start3A_707] : memref<16384x8x768xf32, #tpu.memory_space<hbm>> -> memref<16384x8x768xf32, #tpu.memory_space<hbm>>
    tpu.enqueue_indirect_dma source(%dma_start3A_708 : memref<16384x8x768xf32, #tpu.memory_space<hbm>>) target(%arg6 : memref<8x8x768xf32, #tpu.memory_space<vmem>>) offsets(%dma_start3A_704 : memref<8xi32, #tpu.memory_space<vmem>>) semaphore(%arg8 : memref<!tpu.dma_semaphore, #tpu.memory_space<semaphore_mem>>)
    %dma_wait3A_709 = arith.constant 23 : i32
    %dma_wait3A_710 = arith.constant 0 : i32
    %dma_wait3A_711 = tpu.memref_slice %arg5[%dma_wait3A_709, %dma_wait3A_710] : memref<32x8xi32, #tpu.memory_space<vmem>> -> memref<1x8xi32, #tpu.memory_space<vmem>>
    %dma_wait3A_712 = tpu.memref_squeeze %dma_wait3A_711 : memref<1x8xi32, #tpu.memory_space<vmem>> -> memref<8xi32, #tpu.memory_space<vmem>>
    %dma_wait3A_713 = arith.constant 0 : i32
    %dma_wait3A_714 = arith.constant 0 : i32
    %dma_wait3A_715 = arith.constant 0 : i32
    %dma_wait3A_716 = tpu.memref_slice %arg2[%dma_wait3A_713, %dma_wait3A_714, %dma_wait3A_715] : memref<16384x8x768xf32, #tpu.memory_space<hbm>> -> memref<16384x8x768xf32, #tpu.memory_space<hbm>>
    tpu.wait_indirect_dma semaphore(%arg9 : memref<!tpu.dma_semaphore, #tpu.memory_space<semaphore_mem>>) src(%dma_wait3A_716 : memref<16384x8x768xf32, #tpu.memory_space<hbm>>) dst(%arg7 : memref<8x8x768xf32, #tpu.memory_space<vmem>>)
    %add3A_717 = arith.constant 184 : i32
    %add3A_718 = arith.addi %mul3A_2, %add3A_717 : i32
    %dma_start3A_719 = arith.constant 0 : i32
    %dma_start3A_720 = arith.constant 0 : i32
    %dma_start3A_721 = tpu.memref_slice %arg4[%add3A_718, %dma_start3A_719, %dma_start3A_720] : memref<8192x8x768xf32, #tpu.memory_space<hbm>> -> memref<8x8x768xf32, #tpu.memory_space<hbm>>
    %dma_start3A_722 = arith.constant 0 : i32
    %dma_start3A_723 = arith.constant 0 : i32
    %dma_start3A_724 = tpu.memref_slice %arg4[%add3A_718, %dma_start3A_722, %dma_start3A_723] : memref<8192x8x768xf32, #tpu.memory_space<hbm>> -> memref<8x8x768xf32, #tpu.memory_space<hbm>>
    tpu.enqueue_dma source(%arg7 : memref<8x8x768xf32, #tpu.memory_space<vmem>>) target(%dma_start3A_724 : memref<8x8x768xf32, #tpu.memory_space<hbm>>) target_semaphore(%arg11 : memref<!tpu.dma_semaphore, #tpu.memory_space<semaphore_mem>>)
    %dma_wait3A_725 = arith.constant 0 : i32
    %dma_wait3A_726 = arith.constant 0 : i32
    %dma_wait3A_727 = tpu.memref_slice %arg4[%add3A_718, %dma_wait3A_725, %dma_wait3A_726] : memref<8192x8x768xf32, #tpu.memory_space<hbm>> -> memref<8x8x768xf32, #tpu.memory_space<hbm>>
    %dma_wait3A_728 = arith.constant 0 : i32
    %dma_wait3A_729 = arith.constant 0 : i32
    %dma_wait3A_730 = tpu.memref_slice %arg4[%add3A_718, %dma_wait3A_728, %dma_wait3A_729] : memref<8192x8x768xf32, #tpu.memory_space<hbm>> -> memref<8x8x768xf32, #tpu.memory_space<hbm>>
    tpu.wait_dma2 semaphore(%arg11 : memref<!tpu.dma_semaphore, #tpu.memory_space<semaphore_mem>>) src(%arg7 : memref<8x8x768xf32, #tpu.memory_space<vmem>>) dst(%dma_wait3A_730 : memref<8x8x768xf32, #tpu.memory_space<hbm>>)
    %dma_start3A_731 = arith.constant 25 : i32
    %dma_start3A_732 = arith.constant 0 : i32
    %dma_start3A_733 = tpu.memref_slice %arg5[%dma_start3A_731, %dma_start3A_732] : memref<32x8xi32, #tpu.memory_space<vmem>> -> memref<1x8xi32, #tpu.memory_space<vmem>>
    %dma_start3A_734 = tpu.memref_squeeze %dma_start3A_733 : memref<1x8xi32, #tpu.memory_space<vmem>> -> memref<8xi32, #tpu.memory_space<vmem>>
    %dma_start3A_735 = arith.constant 0 : i32
    %dma_start3A_736 = arith.constant 0 : i32
    %dma_start3A_737 = arith.constant 0 : i32
    %dma_start3A_738 = tpu.memref_slice %arg2[%dma_start3A_735, %dma_start3A_736, %dma_start3A_737] : memref<16384x8x768xf32, #tpu.memory_space<hbm>> -> memref<16384x8x768xf32, #tpu.memory_space<hbm>>
    tpu.enqueue_indirect_dma source(%dma_start3A_738 : memref<16384x8x768xf32, #tpu.memory_space<hbm>>) target(%arg7 : memref<8x8x768xf32, #tpu.memory_space<vmem>>) offsets(%dma_start3A_734 : memref<8xi32, #tpu.memory_space<vmem>>) semaphore(%arg9 : memref<!tpu.dma_semaphore, #tpu.memory_space<semaphore_mem>>)
    %dma_wait3A_739 = arith.constant 24 : i32
    %dma_wait3A_740 = arith.constant 0 : i32
    %dma_wait3A_741 = tpu.memref_slice %arg5[%dma_wait3A_739, %dma_wait3A_740] : memref<32x8xi32, #tpu.memory_space<vmem>> -> memref<1x8xi32, #tpu.memory_space<vmem>>
    %dma_wait3A_742 = tpu.memref_squeeze %dma_wait3A_741 : memref<1x8xi32, #tpu.memory_space<vmem>> -> memref<8xi32, #tpu.memory_space<vmem>>
    %dma_wait3A_743 = arith.constant 0 : i32
    %dma_wait3A_744 = arith.constant 0 : i32
    %dma_wait3A_745 = arith.constant 0 : i32
    %dma_wait3A_746 = tpu.memref_slice %arg2[%dma_wait3A_743, %dma_wait3A_744, %dma_wait3A_745] : memref<16384x8x768xf32, #tpu.memory_space<hbm>> -> memref<16384x8x768xf32, #tpu.memory_space<hbm>>
    tpu.wait_indirect_dma semaphore(%arg8 : memref<!tpu.dma_semaphore, #tpu.memory_space<semaphore_mem>>) src(%dma_wait3A_746 : memref<16384x8x768xf32, #tpu.memory_space<hbm>>) dst(%arg6 : memref<8x8x768xf32, #tpu.memory_space<vmem>>)
    %add3A_747 = arith.constant 192 : i32
    %add3A_748 = arith.addi %mul3A_2, %add3A_747 : i32
    %dma_start3A_749 = arith.constant 0 : i32
    %dma_start3A_750 = arith.constant 0 : i32
    %dma_start3A_751 = tpu.memref_slice %arg4[%add3A_748, %dma_start3A_749, %dma_start3A_750] : memref<8192x8x768xf32, #tpu.memory_space<hbm>> -> memref<8x8x768xf32, #tpu.memory_space<hbm>>
    %dma_start3A_752 = arith.constant 0 : i32
    %dma_start3A_753 = arith.constant 0 : i32
    %dma_start3A_754 = tpu.memref_slice %arg4[%add3A_748, %dma_start3A_752, %dma_start3A_753] : memref<8192x8x768xf32, #tpu.memory_space<hbm>> -> memref<8x8x768xf32, #tpu.memory_space<hbm>>
    tpu.enqueue_dma source(%arg6 : memref<8x8x768xf32, #tpu.memory_space<vmem>>) target(%dma_start3A_754 : memref<8x8x768xf32, #tpu.memory_space<hbm>>) target_semaphore(%arg10 : memref<!tpu.dma_semaphore, #tpu.memory_space<semaphore_mem>>)
    %dma_wait3A_755 = arith.constant 0 : i32
    %dma_wait3A_756 = arith.constant 0 : i32
    %dma_wait3A_757 = tpu.memref_slice %arg4[%add3A_748, %dma_wait3A_755, %dma_wait3A_756] : memref<8192x8x768xf32, #tpu.memory_space<hbm>> -> memref<8x8x768xf32, #tpu.memory_space<hbm>>
    %dma_wait3A_758 = arith.constant 0 : i32
    %dma_wait3A_759 = arith.constant 0 : i32
    %dma_wait3A_760 = tpu.memref_slice %arg4[%add3A_748, %dma_wait3A_758, %dma_wait3A_759] : memref<8192x8x768xf32, #tpu.memory_space<hbm>> -> memref<8x8x768xf32, #tpu.memory_space<hbm>>
    tpu.wait_dma2 semaphore(%arg10 : memref<!tpu.dma_semaphore, #tpu.memory_space<semaphore_mem>>) src(%arg6 : memref<8x8x768xf32, #tpu.memory_space<vmem>>) dst(%dma_wait3A_760 : memref<8x8x768xf32, #tpu.memory_space<hbm>>)
    %dma_start3A_761 = arith.constant 26 : i32
    %dma_start3A_762 = arith.constant 0 : i32
    %dma_start3A_763 = tpu.memref_slice %arg5[%dma_start3A_761, %dma_start3A_762] : memref<32x8xi32, #tpu.memory_space<vmem>> -> memref<1x8xi32, #tpu.memory_space<vmem>>
    %dma_start3A_764 = tpu.memref_squeeze %dma_start3A_763 : memref<1x8xi32, #tpu.memory_space<vmem>> -> memref<8xi32, #tpu.memory_space<vmem>>
    %dma_start3A_765 = arith.constant 0 : i32
    %dma_start3A_766 = arith.constant 0 : i32
    %dma_start3A_767 = arith.constant 0 : i32
    %dma_start3A_768 = tpu.memref_slice %arg2[%dma_start3A_765, %dma_start3A_766, %dma_start3A_767] : memref<16384x8x768xf32, #tpu.memory_space<hbm>> -> memref<16384x8x768xf32, #tpu.memory_space<hbm>>
    tpu.enqueue_indirect_dma source(%dma_start3A_768 : memref<16384x8x768xf32, #tpu.memory_space<hbm>>) target(%arg6 : memref<8x8x768xf32, #tpu.memory_space<vmem>>) offsets(%dma_start3A_764 : memref<8xi32, #tpu.memory_space<vmem>>) semaphore(%arg8 : memref<!tpu.dma_semaphore, #tpu.memory_space<semaphore_mem>>)
    %dma_wait3A_769 = arith.constant 25 : i32
    %dma_wait3A_770 = arith.constant 0 : i32
    %dma_wait3A_771 = tpu.memref_slice %arg5[%dma_wait3A_769, %dma_wait3A_770] : memref<32x8xi32, #tpu.memory_space<vmem>> -> memref<1x8xi32, #tpu.memory_space<vmem>>
    %dma_wait3A_772 = tpu.memref_squeeze %dma_wait3A_771 : memref<1x8xi32, #tpu.memory_space<vmem>> -> memref<8xi32, #tpu.memory_space<vmem>>
    %dma_wait3A_773 = arith.constant 0 : i32
    %dma_wait3A_774 = arith.constant 0 : i32
    %dma_wait3A_775 = arith.constant 0 : i32
    %dma_wait3A_776 = tpu.memref_slice %arg2[%dma_wait3A_773, %dma_wait3A_774, %dma_wait3A_775] : memref<16384x8x768xf32, #tpu.memory_space<hbm>> -> memref<16384x8x768xf32, #tpu.memory_space<hbm>>
    tpu.wait_indirect_dma semaphore(%arg9 : memref<!tpu.dma_semaphore, #tpu.memory_space<semaphore_mem>>) src(%dma_wait3A_776 : memref<16384x8x768xf32, #tpu.memory_space<hbm>>) dst(%arg7 : memref<8x8x768xf32, #tpu.memory_space<vmem>>)
    %add3A_777 = arith.constant 200 : i32
    %add3A_778 = arith.addi %mul3A_2, %add3A_777 : i32
    %dma_start3A_779 = arith.constant 0 : i32
    %dma_start3A_780 = arith.constant 0 : i32
    %dma_start3A_781 = tpu.memref_slice %arg4[%add3A_778, %dma_start3A_779, %dma_start3A_780] : memref<8192x8x768xf32, #tpu.memory_space<hbm>> -> memref<8x8x768xf32, #tpu.memory_space<hbm>>
    %dma_start3A_782 = arith.constant 0 : i32
    %dma_start3A_783 = arith.constant 0 : i32
    %dma_start3A_784 = tpu.memref_slice %arg4[%add3A_778, %dma_start3A_782, %dma_start3A_783] : memref<8192x8x768xf32, #tpu.memory_space<hbm>> -> memref<8x8x768xf32, #tpu.memory_space<hbm>>
    tpu.enqueue_dma source(%arg7 : memref<8x8x768xf32, #tpu.memory_space<vmem>>) target(%dma_start3A_784 : memref<8x8x768xf32, #tpu.memory_space<hbm>>) target_semaphore(%arg11 : memref<!tpu.dma_semaphore, #tpu.memory_space<semaphore_mem>>)
    %dma_wait3A_785 = arith.constant 0 : i32
    %dma_wait3A_786 = arith.constant 0 : i32
    %dma_wait3A_787 = tpu.memref_slice %arg4[%add3A_778, %dma_wait3A_785, %dma_wait3A_786] : memref<8192x8x768xf32, #tpu.memory_space<hbm>> -> memref<8x8x768xf32, #tpu.memory_space<hbm>>
    %dma_wait3A_788 = arith.constant 0 : i32
    %dma_wait3A_789 = arith.constant 0 : i32
    %dma_wait3A_790 = tpu.memref_slice %arg4[%add3A_778, %dma_wait3A_788, %dma_wait3A_789] : memref<8192x8x768xf32, #tpu.memory_space<hbm>> -> memref<8x8x768xf32, #tpu.memory_space<hbm>>
    tpu.wait_dma2 semaphore(%arg11 : memref<!tpu.dma_semaphore, #tpu.memory_space<semaphore_mem>>) src(%arg7 : memref<8x8x768xf32, #tpu.memory_space<vmem>>) dst(%dma_wait3A_790 : memref<8x8x768xf32, #tpu.memory_space<hbm>>)
    %dma_start3A_791 = arith.constant 27 : i32
    %dma_start3A_792 = arith.constant 0 : i32
    %dma_start3A_793 = tpu.memref_slice %arg5[%dma_start3A_791, %dma_start3A_792] : memref<32x8xi32, #tpu.memory_space<vmem>> -> memref<1x8xi32, #tpu.memory_space<vmem>>
    %dma_start3A_794 = tpu.memref_squeeze %dma_start3A_793 : memref<1x8xi32, #tpu.memory_space<vmem>> -> memref<8xi32, #tpu.memory_space<vmem>>
    %dma_start3A_795 = arith.constant 0 : i32
    %dma_start3A_796 = arith.constant 0 : i32
    %dma_start3A_797 = arith.constant 0 : i32
    %dma_start3A_798 = tpu.memref_slice %arg2[%dma_start3A_795, %dma_start3A_796, %dma_start3A_797] : memref<16384x8x768xf32, #tpu.memory_space<hbm>> -> memref<16384x8x768xf32, #tpu.memory_space<hbm>>
    tpu.enqueue_indirect_dma source(%dma_start3A_798 : memref<16384x8x768xf32, #tpu.memory_space<hbm>>) target(%arg7 : memref<8x8x768xf32, #tpu.memory_space<vmem>>) offsets(%dma_start3A_794 : memref<8xi32, #tpu.memory_space<vmem>>) semaphore(%arg9 : memref<!tpu.dma_semaphore, #tpu.memory_space<semaphore_mem>>)
    %dma_wait3A_799 = arith.constant 26 : i32
    %dma_wait3A_800 = arith.constant 0 : i32
    %dma_wait3A_801 = tpu.memref_slice %arg5[%dma_wait3A_799, %dma_wait3A_800] : memref<32x8xi32, #tpu.memory_space<vmem>> -> memref<1x8xi32, #tpu.memory_space<vmem>>
    %dma_wait3A_802 = tpu.memref_squeeze %dma_wait3A_801 : memref<1x8xi32, #tpu.memory_space<vmem>> -> memref<8xi32, #tpu.memory_space<vmem>>
    %dma_wait3A_803 = arith.constant 0 : i32
    %dma_wait3A_804 = arith.constant 0 : i32
    %dma_wait3A_805 = arith.constant 0 : i32
    %dma_wait3A_806 = tpu.memref_slice %arg2[%dma_wait3A_803, %dma_wait3A_804, %dma_wait3A_805] : memref<16384x8x768xf32, #tpu.memory_space<hbm>> -> memref<16384x8x768xf32, #tpu.memory_space<hbm>>
    tpu.wait_indirect_dma semaphore(%arg8 : memref<!tpu.dma_semaphore, #tpu.memory_space<semaphore_mem>>) src(%dma_wait3A_806 : memref<16384x8x768xf32, #tpu.memory_space<hbm>>) dst(%arg6 : memref<8x8x768xf32, #tpu.memory_space<vmem>>)
    %add3A_807 = arith.constant 208 : i32
    %add3A_808 = arith.addi %mul3A_2, %add3A_807 : i32
    %dma_start3A_809 = arith.constant 0 : i32
    %dma_start3A_810 = arith.constant 0 : i32
    %dma_start3A_811 = tpu.memref_slice %arg4[%add3A_808, %dma_start3A_809, %dma_start3A_810] : memref<8192x8x768xf32, #tpu.memory_space<hbm>> -> memref<8x8x768xf32, #tpu.memory_space<hbm>>
    %dma_start3A_812 = arith.constant 0 : i32
    %dma_start3A_813 = arith.constant 0 : i32
    %dma_start3A_814 = tpu.memref_slice %arg4[%add3A_808, %dma_start3A_812, %dma_start3A_813] : memref<8192x8x768xf32, #tpu.memory_space<hbm>> -> memref<8x8x768xf32, #tpu.memory_space<hbm>>
    tpu.enqueue_dma source(%arg6 : memref<8x8x768xf32, #tpu.memory_space<vmem>>) target(%dma_start3A_814 : memref<8x8x768xf32, #tpu.memory_space<hbm>>) target_semaphore(%arg10 : memref<!tpu.dma_semaphore, #tpu.memory_space<semaphore_mem>>)
    %dma_wait3A_815 = arith.constant 0 : i32
    %dma_wait3A_816 = arith.constant 0 : i32
    %dma_wait3A_817 = tpu.memref_slice %arg4[%add3A_808, %dma_wait3A_815, %dma_wait3A_816] : memref<8192x8x768xf32, #tpu.memory_space<hbm>> -> memref<8x8x768xf32, #tpu.memory_space<hbm>>
    %dma_wait3A_818 = arith.constant 0 : i32
    %dma_wait3A_819 = arith.constant 0 : i32
    %dma_wait3A_820 = tpu.memref_slice %arg4[%add3A_808, %dma_wait3A_818, %dma_wait3A_819] : memref<8192x8x768xf32, #tpu.memory_space<hbm>> -> memref<8x8x768xf32, #tpu.memory_space<hbm>>
    tpu.wait_dma2 semaphore(%arg10 : memref<!tpu.dma_semaphore, #tpu.memory_space<semaphore_mem>>) src(%arg6 : memref<8x8x768xf32, #tpu.memory_space<vmem>>) dst(%dma_wait3A_820 : memref<8x8x768xf32, #tpu.memory_space<hbm>>)
    %dma_start3A_821 = arith.constant 28 : i32
    %dma_start3A_822 = arith.constant 0 : i32
    %dma_start3A_823 = tpu.memref_slice %arg5[%dma_start3A_821, %dma_start3A_822] : memref<32x8xi32, #tpu.memory_space<vmem>> -> memref<1x8xi32, #tpu.memory_space<vmem>>
    %dma_start3A_824 = tpu.memref_squeeze %dma_start3A_823 : memref<1x8xi32, #tpu.memory_space<vmem>> -> memref<8xi32, #tpu.memory_space<vmem>>
    %dma_start3A_825 = arith.constant 0 : i32
    %dma_start3A_826 = arith.constant 0 : i32
    %dma_start3A_827 = arith.constant 0 : i32
    %dma_start3A_828 = tpu.memref_slice %arg2[%dma_start3A_825, %dma_start3A_826, %dma_start3A_827] : memref<16384x8x768xf32, #tpu.memory_space<hbm>> -> memref<16384x8x768xf32, #tpu.memory_space<hbm>>
    tpu.enqueue_indirect_dma source(%dma_start3A_828 : memref<16384x8x768xf32, #tpu.memory_space<hbm>>) target(%arg6 : memref<8x8x768xf32, #tpu.memory_space<vmem>>) offsets(%dma_start3A_824 : memref<8xi32, #tpu.memory_space<vmem>>) semaphore(%arg8 : memref<!tpu.dma_semaphore, #tpu.memory_space<semaphore_mem>>)
    %dma_wait3A_829 = arith.constant 27 : i32
    %dma_wait3A_830 = arith.constant 0 : i32
    %dma_wait3A_831 = tpu.memref_slice %arg5[%dma_wait3A_829, %dma_wait3A_830] : memref<32x8xi32, #tpu.memory_space<vmem>> -> memref<1x8xi32, #tpu.memory_space<vmem>>
    %dma_wait3A_832 = tpu.memref_squeeze %dma_wait3A_831 : memref<1x8xi32, #tpu.memory_space<vmem>> -> memref<8xi32, #tpu.memory_space<vmem>>
    %dma_wait3A_833 = arith.constant 0 : i32
    %dma_wait3A_834 = arith.constant 0 : i32
    %dma_wait3A_835 = arith.constant 0 : i32
    %dma_wait3A_836 = tpu.memref_slice %arg2[%dma_wait3A_833, %dma_wait3A_834, %dma_wait3A_835] : memref<16384x8x768xf32, #tpu.memory_space<hbm>> -> memref<16384x8x768xf32, #tpu.memory_space<hbm>>
    tpu.wait_indirect_dma semaphore(%arg9 : memref<!tpu.dma_semaphore, #tpu.memory_space<semaphore_mem>>) src(%dma_wait3A_836 : memref<16384x8x768xf32, #tpu.memory_space<hbm>>) dst(%arg7 : memref<8x8x768xf32, #tpu.memory_space<vmem>>)
    %add3A_837 = arith.constant 216 : i32
    %add3A_838 = arith.addi %mul3A_2, %add3A_837 : i32
    %dma_start3A_839 = arith.constant 0 : i32
    %dma_start3A_840 = arith.constant 0 : i32
    %dma_start3A_841 = tpu.memref_slice %arg4[%add3A_838, %dma_start3A_839, %dma_start3A_840] : memref<8192x8x768xf32, #tpu.memory_space<hbm>> -> memref<8x8x768xf32, #tpu.memory_space<hbm>>
    %dma_start3A_842 = arith.constant 0 : i32
    %dma_start3A_843 = arith.constant 0 : i32
    %dma_start3A_844 = tpu.memref_slice %arg4[%add3A_838, %dma_start3A_842, %dma_start3A_843] : memref<8192x8x768xf32, #tpu.memory_space<hbm>> -> memref<8x8x768xf32, #tpu.memory_space<hbm>>
    tpu.enqueue_dma source(%arg7 : memref<8x8x768xf32, #tpu.memory_space<vmem>>) target(%dma_start3A_844 : memref<8x8x768xf32, #tpu.memory_space<hbm>>) target_semaphore(%arg11 : memref<!tpu.dma_semaphore, #tpu.memory_space<semaphore_mem>>)
    %dma_wait3A_845 = arith.constant 0 : i32
    %dma_wait3A_846 = arith.constant 0 : i32
    %dma_wait3A_847 = tpu.memref_slice %arg4[%add3A_838, %dma_wait3A_845, %dma_wait3A_846] : memref<8192x8x768xf32, #tpu.memory_space<hbm>> -> memref<8x8x768xf32, #tpu.memory_space<hbm>>
    %dma_wait3A_848 = arith.constant 0 : i32
    %dma_wait3A_849 = arith.constant 0 : i32
    %dma_wait3A_850 = tpu.memref_slice %arg4[%add3A_838, %dma_wait3A_848, %dma_wait3A_849] : memref<8192x8x768xf32, #tpu.memory_space<hbm>> -> memref<8x8x768xf32, #tpu.memory_space<hbm>>
    tpu.wait_dma2 semaphore(%arg11 : memref<!tpu.dma_semaphore, #tpu.memory_space<semaphore_mem>>) src(%arg7 : memref<8x8x768xf32, #tpu.memory_space<vmem>>) dst(%dma_wait3A_850 : memref<8x8x768xf32, #tpu.memory_space<hbm>>)
    %dma_start3A_851 = arith.constant 29 : i32
    %dma_start3A_852 = arith.constant 0 : i32
    %dma_start3A_853 = tpu.memref_slice %arg5[%dma_start3A_851, %dma_start3A_852] : memref<32x8xi32, #tpu.memory_space<vmem>> -> memref<1x8xi32, #tpu.memory_space<vmem>>
    %dma_start3A_854 = tpu.memref_squeeze %dma_start3A_853 : memref<1x8xi32, #tpu.memory_space<vmem>> -> memref<8xi32, #tpu.memory_space<vmem>>
    %dma_start3A_855 = arith.constant 0 : i32
    %dma_start3A_856 = arith.constant 0 : i32
    %dma_start3A_857 = arith.constant 0 : i32
    %dma_start3A_858 = tpu.memref_slice %arg2[%dma_start3A_855, %dma_start3A_856, %dma_start3A_857] : memref<16384x8x768xf32, #tpu.memory_space<hbm>> -> memref<16384x8x768xf32, #tpu.memory_space<hbm>>
    tpu.enqueue_indirect_dma source(%dma_start3A_858 : memref<16384x8x768xf32, #tpu.memory_space<hbm>>) target(%arg7 : memref<8x8x768xf32, #tpu.memory_space<vmem>>) offsets(%dma_start3A_854 : memref<8xi32, #tpu.memory_space<vmem>>) semaphore(%arg9 : memref<!tpu.dma_semaphore, #tpu.memory_space<semaphore_mem>>)
    %dma_wait3A_859 = arith.constant 28 : i32
    %dma_wait3A_860 = arith.constant 0 : i32
    %dma_wait3A_861 = tpu.memref_slice %arg5[%dma_wait3A_859, %dma_wait3A_860] : memref<32x8xi32, #tpu.memory_space<vmem>> -> memref<1x8xi32, #tpu.memory_space<vmem>>
    %dma_wait3A_862 = tpu.memref_squeeze %dma_wait3A_861 : memref<1x8xi32, #tpu.memory_space<vmem>> -> memref<8xi32, #tpu.memory_space<vmem>>
    %dma_wait3A_863 = arith.constant 0 : i32
    %dma_wait3A_864 = arith.constant 0 : i32
    %dma_wait3A_865 = arith.constant 0 : i32
    %dma_wait3A_866 = tpu.memref_slice %arg2[%dma_wait3A_863, %dma_wait3A_864, %dma_wait3A_865] : memref<16384x8x768xf32, #tpu.memory_space<hbm>> -> memref<16384x8x768xf32, #tpu.memory_space<hbm>>
    tpu.wait_indirect_dma semaphore(%arg8 : memref<!tpu.dma_semaphore, #tpu.memory_space<semaphore_mem>>) src(%dma_wait3A_866 : memref<16384x8x768xf32, #tpu.memory_space<hbm>>) dst(%arg6 : memref<8x8x768xf32, #tpu.memory_space<vmem>>)
    %add3A_867 = arith.constant 224 : i32
    %add3A_868 = arith.addi %mul3A_2, %add3A_867 : i32
    %dma_start3A_869 = arith.constant 0 : i32
    %dma_start3A_870 = arith.constant 0 : i32
    %dma_start3A_871 = tpu.memref_slice %arg4[%add3A_868, %dma_start3A_869, %dma_start3A_870] : memref<8192x8x768xf32, #tpu.memory_space<hbm>> -> memref<8x8x768xf32, #tpu.memory_space<hbm>>
    %dma_start3A_872 = arith.constant 0 : i32
    %dma_start3A_873 = arith.constant 0 : i32
    %dma_start3A_874 = tpu.memref_slice %arg4[%add3A_868, %dma_start3A_872, %dma_start3A_873] : memref<8192x8x768xf32, #tpu.memory_space<hbm>> -> memref<8x8x768xf32, #tpu.memory_space<hbm>>
    tpu.enqueue_dma source(%arg6 : memref<8x8x768xf32, #tpu.memory_space<vmem>>) target(%dma_start3A_874 : memref<8x8x768xf32, #tpu.memory_space<hbm>>) target_semaphore(%arg10 : memref<!tpu.dma_semaphore, #tpu.memory_space<semaphore_mem>>)
    %dma_wait3A_875 = arith.constant 0 : i32
    %dma_wait3A_876 = arith.constant 0 : i32
    %dma_wait3A_877 = tpu.memref_slice %arg4[%add3A_868, %dma_wait3A_875, %dma_wait3A_876] : memref<8192x8x768xf32, #tpu.memory_space<hbm>> -> memref<8x8x768xf32, #tpu.memory_space<hbm>>
    %dma_wait3A_878 = arith.constant 0 : i32
    %dma_wait3A_879 = arith.constant 0 : i32
    %dma_wait3A_880 = tpu.memref_slice %arg4[%add3A_868, %dma_wait3A_878, %dma_wait3A_879] : memref<8192x8x768xf32, #tpu.memory_space<hbm>> -> memref<8x8x768xf32, #tpu.memory_space<hbm>>
    tpu.wait_dma2 semaphore(%arg10 : memref<!tpu.dma_semaphore, #tpu.memory_space<semaphore_mem>>) src(%arg6 : memref<8x8x768xf32, #tpu.memory_space<vmem>>) dst(%dma_wait3A_880 : memref<8x8x768xf32, #tpu.memory_space<hbm>>)
    %dma_start3A_881 = arith.constant 30 : i32
    %dma_start3A_882 = arith.constant 0 : i32
    %dma_start3A_883 = tpu.memref_slice %arg5[%dma_start3A_881, %dma_start3A_882] : memref<32x8xi32, #tpu.memory_space<vmem>> -> memref<1x8xi32, #tpu.memory_space<vmem>>
    %dma_start3A_884 = tpu.memref_squeeze %dma_start3A_883 : memref<1x8xi32, #tpu.memory_space<vmem>> -> memref<8xi32, #tpu.memory_space<vmem>>
    %dma_start3A_885 = arith.constant 0 : i32
    %dma_start3A_886 = arith.constant 0 : i32
    %dma_start3A_887 = arith.constant 0 : i32
    %dma_start3A_888 = tpu.memref_slice %arg2[%dma_start3A_885, %dma_start3A_886, %dma_start3A_887] : memref<16384x8x768xf32, #tpu.memory_space<hbm>> -> memref<16384x8x768xf32, #tpu.memory_space<hbm>>
    tpu.enqueue_indirect_dma source(%dma_start3A_888 : memref<16384x8x768xf32, #tpu.memory_space<hbm>>) target(%arg6 : memref<8x8x768xf32, #tpu.memory_space<vmem>>) offsets(%dma_start3A_884 : memref<8xi32, #tpu.memory_space<vmem>>) semaphore(%arg8 : memref<!tpu.dma_semaphore, #tpu.memory_space<semaphore_mem>>)
    %dma_wait3A_889 = arith.constant 29 : i32
    %dma_wait3A_890 = arith.constant 0 : i32
    %dma_wait3A_891 = tpu.memref_slice %arg5[%dma_wait3A_889, %dma_wait3A_890] : memref<32x8xi32, #tpu.memory_space<vmem>> -> memref<1x8xi32, #tpu.memory_space<vmem>>
    %dma_wait3A_892 = tpu.memref_squeeze %dma_wait3A_891 : memref<1x8xi32, #tpu.memory_space<vmem>> -> memref<8xi32, #tpu.memory_space<vmem>>
    %dma_wait3A_893 = arith.constant 0 : i32
    %dma_wait3A_894 = arith.constant 0 : i32
    %dma_wait3A_895 = arith.constant 0 : i32
    %dma_wait3A_896 = tpu.memref_slice %arg2[%dma_wait3A_893, %dma_wait3A_894, %dma_wait3A_895] : memref<16384x8x768xf32, #tpu.memory_space<hbm>> -> memref<16384x8x768xf32, #tpu.memory_space<hbm>>
    tpu.wait_indirect_dma semaphore(%arg9 : memref<!tpu.dma_semaphore, #tpu.memory_space<semaphore_mem>>) src(%dma_wait3A_896 : memref<16384x8x768xf32, #tpu.memory_space<hbm>>) dst(%arg7 : memref<8x8x768xf32, #tpu.memory_space<vmem>>)
    %add3A_897 = arith.constant 232 : i32
    %add3A_898 = arith.addi %mul3A_2, %add3A_897 : i32
    %dma_start3A_899 = arith.constant 0 : i32
    %dma_start3A_900 = arith.constant 0 : i32
    %dma_start3A_901 = tpu.memref_slice %arg4[%add3A_898, %dma_start3A_899, %dma_start3A_900] : memref<8192x8x768xf32, #tpu.memory_space<hbm>> -> memref<8x8x768xf32, #tpu.memory_space<hbm>>
    %dma_start3A_902 = arith.constant 0 : i32
    %dma_start3A_903 = arith.constant 0 : i32
    %dma_start3A_904 = tpu.memref_slice %arg4[%add3A_898, %dma_start3A_902, %dma_start3A_903] : memref<8192x8x768xf32, #tpu.memory_space<hbm>> -> memref<8x8x768xf32, #tpu.memory_space<hbm>>
    tpu.enqueue_dma source(%arg7 : memref<8x8x768xf32, #tpu.memory_space<vmem>>) target(%dma_start3A_904 : memref<8x8x768xf32, #tpu.memory_space<hbm>>) target_semaphore(%arg11 : memref<!tpu.dma_semaphore, #tpu.memory_space<semaphore_mem>>)
    %dma_wait3A_905 = arith.constant 0 : i32
    %dma_wait3A_906 = arith.constant 0 : i32
    %dma_wait3A_907 = tpu.memref_slice %arg4[%add3A_898, %dma_wait3A_905, %dma_wait3A_906] : memref<8192x8x768xf32, #tpu.memory_space<hbm>> -> memref<8x8x768xf32, #tpu.memory_space<hbm>>
    %dma_wait3A_908 = arith.constant 0 : i32
    %dma_wait3A_909 = arith.constant 0 : i32
    %dma_wait3A_910 = tpu.memref_slice %arg4[%add3A_898, %dma_wait3A_908, %dma_wait3A_909] : memref<8192x8x768xf32, #tpu.memory_space<hbm>> -> memref<8x8x768xf32, #tpu.memory_space<hbm>>
    tpu.wait_dma2 semaphore(%arg11 : memref<!tpu.dma_semaphore, #tpu.memory_space<semaphore_mem>>) src(%arg7 : memref<8x8x768xf32, #tpu.memory_space<vmem>>) dst(%dma_wait3A_910 : memref<8x8x768xf32, #tpu.memory_space<hbm>>)
    %dma_start3A_911 = arith.constant 31 : i32
    %dma_start3A_912 = arith.constant 0 : i32
    %dma_start3A_913 = tpu.memref_slice %arg5[%dma_start3A_911, %dma_start3A_912] : memref<32x8xi32, #tpu.memory_space<vmem>> -> memref<1x8xi32, #tpu.memory_space<vmem>>
    %dma_start3A_914 = tpu.memref_squeeze %dma_start3A_913 : memref<1x8xi32, #tpu.memory_space<vmem>> -> memref<8xi32, #tpu.memory_space<vmem>>
    %dma_start3A_915 = arith.constant 0 : i32
    %dma_start3A_916 = arith.constant 0 : i32
    %dma_start3A_917 = arith.constant 0 : i32
    %dma_start3A_918 = tpu.memref_slice %arg2[%dma_start3A_915, %dma_start3A_916, %dma_start3A_917] : memref<16384x8x768xf32, #tpu.memory_space<hbm>> -> memref<16384x8x768xf32, #tpu.memory_space<hbm>>
    tpu.enqueue_indirect_dma source(%dma_start3A_918 : memref<16384x8x768xf32, #tpu.memory_space<hbm>>) target(%arg7 : memref<8x8x768xf32, #tpu.memory_space<vmem>>) offsets(%dma_start3A_914 : memref<8xi32, #tpu.memory_space<vmem>>) semaphore(%arg9 : memref<!tpu.dma_semaphore, #tpu.memory_space<semaphore_mem>>)
    %dma_wait3A_919 = arith.constant 30 : i32
    %dma_wait3A_920 = arith.constant 0 : i32
    %dma_wait3A_921 = tpu.memref_slice %arg5[%dma_wait3A_919, %dma_wait3A_920] : memref<32x8xi32, #tpu.memory_space<vmem>> -> memref<1x8xi32, #tpu.memory_space<vmem>>
    %dma_wait3A_922 = tpu.memref_squeeze %dma_wait3A_921 : memref<1x8xi32, #tpu.memory_space<vmem>> -> memref<8xi32, #tpu.memory_space<vmem>>
    %dma_wait3A_923 = arith.constant 0 : i32
    %dma_wait3A_924 = arith.constant 0 : i32
    %dma_wait3A_925 = arith.constant 0 : i32
    %dma_wait3A_926 = tpu.memref_slice %arg2[%dma_wait3A_923, %dma_wait3A_924, %dma_wait3A_925] : memref<16384x8x768xf32, #tpu.memory_space<hbm>> -> memref<16384x8x768xf32, #tpu.memory_space<hbm>>
    tpu.wait_indirect_dma semaphore(%arg8 : memref<!tpu.dma_semaphore, #tpu.memory_space<semaphore_mem>>) src(%dma_wait3A_926 : memref<16384x8x768xf32, #tpu.memory_space<hbm>>) dst(%arg6 : memref<8x8x768xf32, #tpu.memory_space<vmem>>)
    %add3A_927 = arith.constant 240 : i32
    %add3A_928 = arith.addi %mul3A_2, %add3A_927 : i32
    %dma_start3A_929 = arith.constant 0 : i32
    %dma_start3A_930 = arith.constant 0 : i32
    %dma_start3A_931 = tpu.memref_slice %arg4[%add3A_928, %dma_start3A_929, %dma_start3A_930] : memref<8192x8x768xf32, #tpu.memory_space<hbm>> -> memref<8x8x768xf32, #tpu.memory_space<hbm>>
    %dma_start3A_932 = arith.constant 0 : i32
    %dma_start3A_933 = arith.constant 0 : i32
    %dma_start3A_934 = tpu.memref_slice %arg4[%add3A_928, %dma_start3A_932, %dma_start3A_933] : memref<8192x8x768xf32, #tpu.memory_space<hbm>> -> memref<8x8x768xf32, #tpu.memory_space<hbm>>
    tpu.enqueue_dma source(%arg6 : memref<8x8x768xf32, #tpu.memory_space<vmem>>) target(%dma_start3A_934 : memref<8x8x768xf32, #tpu.memory_space<hbm>>) target_semaphore(%arg10 : memref<!tpu.dma_semaphore, #tpu.memory_space<semaphore_mem>>)
    %dma_wait3A_935 = arith.constant 31 : i32
    %dma_wait3A_936 = arith.constant 0 : i32
    %dma_wait3A_937 = tpu.memref_slice %arg5[%dma_wait3A_935, %dma_wait3A_936] : memref<32x8xi32, #tpu.memory_space<vmem>> -> memref<1x8xi32, #tpu.memory_space<vmem>>
    %dma_wait3A_938 = tpu.memref_squeeze %dma_wait3A_937 : memref<1x8xi32, #tpu.memory_space<vmem>> -> memref<8xi32, #tpu.memory_space<vmem>>
    %dma_wait3A_939 = arith.constant 0 : i32
    %dma_wait3A_940 = arith.constant 0 : i32
    %dma_wait3A_941 = arith.constant 0 : i32
    %dma_wait3A_942 = tpu.memref_slice %arg2[%dma_wait3A_939, %dma_wait3A_940, %dma_wait3A_941] : memref<16384x8x768xf32, #tpu.memory_space<hbm>> -> memref<16384x8x768xf32, #tpu.memory_space<hbm>>
    tpu.wait_indirect_dma semaphore(%arg9 : memref<!tpu.dma_semaphore, #tpu.memory_space<semaphore_mem>>) src(%dma_wait3A_942 : memref<16384x8x768xf32, #tpu.memory_space<hbm>>) dst(%arg7 : memref<8x8x768xf32, #tpu.memory_space<vmem>>)
    %add3A_943 = arith.constant 248 : i32
    %add3A_944 = arith.addi %mul3A_2, %add3A_943 : i32
    %dma_start3A_945 = arith.constant 0 : i32
    %dma_start3A_946 = arith.constant 0 : i32
    %dma_start3A_947 = tpu.memref_slice %arg4[%add3A_944, %dma_start3A_945, %dma_start3A_946] : memref<8192x8x768xf32, #tpu.memory_space<hbm>> -> memref<8x8x768xf32, #tpu.memory_space<hbm>>
    %dma_start3A_948 = arith.constant 0 : i32
    %dma_start3A_949 = arith.constant 0 : i32
    %dma_start3A_950 = tpu.memref_slice %arg4[%add3A_944, %dma_start3A_948, %dma_start3A_949] : memref<8192x8x768xf32, #tpu.memory_space<hbm>> -> memref<8x8x768xf32, #tpu.memory_space<hbm>>
    tpu.enqueue_dma source(%arg7 : memref<8x8x768xf32, #tpu.memory_space<vmem>>) target(%dma_start3A_950 : memref<8x8x768xf32, #tpu.memory_space<hbm>>) target_semaphore(%arg11 : memref<!tpu.dma_semaphore, #tpu.memory_space<semaphore_mem>>)
    %dma_wait3A_951 = arith.constant 0 : i32
    %dma_wait3A_952 = arith.constant 0 : i32
    %dma_wait3A_953 = tpu.memref_slice %arg4[%add3A_928, %dma_wait3A_951, %dma_wait3A_952] : memref<8192x8x768xf32, #tpu.memory_space<hbm>> -> memref<8x8x768xf32, #tpu.memory_space<hbm>>
    %dma_wait3A_954 = arith.constant 0 : i32
    %dma_wait3A_955 = arith.constant 0 : i32
    %dma_wait3A_956 = tpu.memref_slice %arg4[%add3A_928, %dma_wait3A_954, %dma_wait3A_955] : memref<8192x8x768xf32, #tpu.memory_space<hbm>> -> memref<8x8x768xf32, #tpu.memory_space<hbm>>
    tpu.wait_dma2 semaphore(%arg10 : memref<!tpu.dma_semaphore, #tpu.memory_space<semaphore_mem>>) src(%arg6 : memref<8x8x768xf32, #tpu.memory_space<vmem>>) dst(%dma_wait3A_956 : memref<8x8x768xf32, #tpu.memory_space<hbm>>)
    %dma_wait3A_957 = arith.constant 0 : i32
    %dma_wait3A_958 = arith.constant 0 : i32
    %dma_wait3A_959 = tpu.memref_slice %arg4[%add3A_944, %dma_wait3A_957, %dma_wait3A_958] : memref<8192x8x768xf32, #tpu.memory_space<hbm>> -> memref<8x8x768xf32, #tpu.memory_space<hbm>>
    %dma_wait3A_960 = arith.constant 0 : i32
    %dma_wait3A_961 = arith.constant 0 : i32
    %dma_wait3A_962 = tpu.memref_slice %arg4[%add3A_944, %dma_wait3A_960, %dma_wait3A_961] : memref<8192x8x768xf32, #tpu.memory_space<hbm>> -> memref<8x8x768xf32, #tpu.memory_space<hbm>>
    tpu.wait_dma2 semaphore(%arg11 : memref<!tpu.dma_semaphore, #tpu.memory_space<semaphore_mem>>) src(%arg7 : memref<8x8x768xf32, #tpu.memory_space<vmem>>) dst(%dma_wait3A_962 : memref<8x8x768xf32, #tpu.memory_space<hbm>>)
    return
  }
}

module attributes {stable_mosaic.version = 14 : i64} {
  func.func @_score_topk_body(%arg0: i32, %arg1: memref<1024x768xf32, #tpu.memory_space<vmem>>, %arg2: memref<512x768xf32, #tpu.memory_space<vmem>>, %arg3: memref<8x1024xi32, #tpu.memory_space<vmem>>, %arg4: memref<1024x768xbf16, #tpu.memory_space<vmem>>, %arg5: memref<1024x768xbf16, #tpu.memory_space<vmem>>, %arg6: memref<1024x768xbf16, #tpu.memory_space<vmem>>, %arg7: memref<16x8x1024xf32, #tpu.memory_space<vmem>>, %arg8: memref<16x8x1024xi32, #tpu.memory_space<vmem>>) attributes {dimension_semantics = [#tpu.dimension_semantics<arbitrary>], iteration_bounds = array<i64: 16>, scalar_prefetch = 0 : i64, scratch_operands = 5 : i64, tpu.core_type = #tpu.core_type<tc>, window_params = [{pipeline_mode = #tpu.pipeline_mode<synchronous>, transform_indices = @transform_0, window_bounds = array<i64: 1024, 768>}, {transform_indices = @transform_1, window_bounds = array<i64: 512, 768>}, {pipeline_mode = #tpu.pipeline_mode<synchronous>, transform_indices = @transform_2, window_bounds = array<i64: 8, 1024>}]} {
    %eq3A = arith.constant 0 : i32
    %eq3A_0 = arith.cmpi eq, %arg0, %eq3A : i32
    %convert_element_type3A = arith.extui %eq3A_0 : i1 to i32
    %cond3A = arith.constant 0 : i32
    %cond3A_1 = arith.cmpi ne, %convert_element_type3A, %cond3A : i32
    scf.if %cond3A_1 {
      %get3A_123 = arith.constant 0 : index
      %get3A_124 = arith.constant 0 : index
      %get3A_125 = vector.load %arg1[%get3A_123, %get3A_124] : memref<1024x768xf32, #tpu.memory_space<vmem>>, vector<1024x768xf32>
      %mul3A_126 = arith.mulf %get3A_125, %get3A_125 : vector<1024x768xf32>
      %reduce_sum3A_127 = arith.constant dense<0.000000e+00> : vector<1024xf32>
      %reduce_sum3A_128 = vector.multi_reduction <add>, %mul3A_126, %reduce_sum3A_127 [1] : vector<1024x768xf32> to vector<1024xf32>
      %broadcast_in_dim3A_129 = vector.shape_cast %reduce_sum3A_128 : vector<1024xf32> to vector<1024x1xf32>
      %max3A_130 = arith.constant 9.99999996E-13 : f32
      %max3A_131 = vector.broadcast %max3A_130 : f32 to vector<1024x1xf32>
      %max3A_132 = arith.maximumf %broadcast_in_dim3A_129, %max3A_131 : vector<1024x1xf32>
      %rsqrt3A_133 = math.rsqrt %max3A_132 : vector<1024x1xf32>
      %mul3A_134 = vector.broadcast %rsqrt3A_133 : vector<1024x1xf32> to vector<1024x768xf32>
      %mul3A_135 = arith.mulf %get3A_125, %mul3A_134 : vector<1024x768xf32>
      %convert_element_type3A_136 = arith.truncf %mul3A_135 : vector<1024x768xf32> to vector<1024x768xbf16>
      %convert_element_type3A_137 = arith.extf %convert_element_type3A_136 : vector<1024x768xbf16> to vector<1024x768xf32>
      %sub3A_138 = arith.subf %mul3A_135, %convert_element_type3A_137 : vector<1024x768xf32>
      %convert_element_type3A_139 = arith.truncf %sub3A_138 : vector<1024x768xf32> to vector<1024x768xbf16>
      %convert_element_type3A_140 = arith.extf %convert_element_type3A_139 : vector<1024x768xbf16> to vector<1024x768xf32>
      %sub3A_141 = arith.subf %sub3A_138, %convert_element_type3A_140 : vector<1024x768xf32>
      %convert_element_type3A_142 = arith.truncf %sub3A_141 : vector<1024x768xf32> to vector<1024x768xbf16>
      %swap3A_143 = arith.constant 0 : index
      %swap3A_144 = arith.constant 0 : index
      %swap3A_145 = vector.load %arg4[%swap3A_143, %swap3A_144] : memref<1024x768xbf16, #tpu.memory_space<vmem>>, vector<1024x768xbf16>
      tpu.vector_store %arg4[%swap3A_143, %swap3A_144], %convert_element_type3A_136 {strides = array<i32>} : memref<1024x768xbf16, #tpu.memory_space<vmem>>, vector<1024x768xbf16>,
      %swap3A_146 = arith.constant 0 : index
      %swap3A_147 = arith.constant 0 : index
      %swap3A_148 = vector.load %arg5[%swap3A_146, %swap3A_147] : memref<1024x768xbf16, #tpu.memory_space<vmem>>, vector<1024x768xbf16>
      tpu.vector_store %arg5[%swap3A_146, %swap3A_147], %convert_element_type3A_139 {strides = array<i32>} : memref<1024x768xbf16, #tpu.memory_space<vmem>>, vector<1024x768xbf16>,
      %swap3A_149 = arith.constant 0 : index
      %swap3A_150 = arith.constant 0 : index
      %swap3A_151 = vector.load %arg6[%swap3A_149, %swap3A_150] : memref<1024x768xbf16, #tpu.memory_space<vmem>>, vector<1024x768xbf16>
      tpu.vector_store %arg6[%swap3A_149, %swap3A_150], %convert_element_type3A_142 {strides = array<i32>} : memref<1024x768xbf16, #tpu.memory_space<vmem>>, vector<1024x768xbf16>,
    } else {
    }
    %get3A = arith.constant 0 : index
    %get3A_2 = arith.constant 0 : index
    %get3A_3 = vector.load %arg2[%get3A, %get3A_2] : memref<512x768xf32, #tpu.memory_space<vmem>>, vector<512x768xf32>
    %mul3A = arith.mulf %get3A_3, %get3A_3 : vector<512x768xf32>
    %reduce_sum3A = arith.constant dense<0.000000e+00> : vector<512xf32>
    %reduce_sum3A_4 = vector.multi_reduction <add>, %mul3A, %reduce_sum3A [1] : vector<512x768xf32> to vector<512xf32>
    %broadcast_in_dim3A = vector.shape_cast %reduce_sum3A_4 : vector<512xf32> to vector<512x1xf32>
    %max3A = arith.constant 9.99999996E-13 : f32
    %max3A_5 = vector.broadcast %max3A : f32 to vector<512x1xf32>
    %max3A_6 = arith.maximumf %broadcast_in_dim3A, %max3A_5 : vector<512x1xf32>
    %rsqrt3A = math.rsqrt %max3A_6 : vector<512x1xf32>
    %mul3A_7 = vector.broadcast %rsqrt3A : vector<512x1xf32> to vector<512x768xf32>
    %mul3A_8 = arith.mulf %get3A_3, %mul3A_7 : vector<512x768xf32>
    %convert_element_type3A_9 = arith.truncf %mul3A_8 : vector<512x768xf32> to vector<512x768xbf16>
    %convert_element_type3A_10 = arith.extf %convert_element_type3A_9 : vector<512x768xbf16> to vector<512x768xf32>
    %sub3A = arith.subf %mul3A_8, %convert_element_type3A_10 : vector<512x768xf32>
    %convert_element_type3A_11 = arith.truncf %sub3A : vector<512x768xf32> to vector<512x768xbf16>
    %convert_element_type3A_12 = arith.extf %convert_element_type3A_11 : vector<512x768xbf16> to vector<512x768xf32>
    %sub3A_13 = arith.subf %sub3A, %convert_element_type3A_12 : vector<512x768xf32>
    %convert_element_type3A_14 = arith.truncf %sub3A_13 : vector<512x768xf32> to vector<512x768xbf16>
    %get3A_15 = arith.constant 0 : index
    %get3A_16 = arith.constant 0 : index
    %get3A_17 = vector.load %arg4[%get3A_15, %get3A_16] : memref<1024x768xbf16, #tpu.memory_space<vmem>>, vector<1024x768xbf16>
    %get3A_18 = arith.constant 0 : index
    %get3A_19 = arith.constant 0 : index
    %get3A_20 = vector.load %arg5[%get3A_18, %get3A_19] : memref<1024x768xbf16, #tpu.memory_space<vmem>>, vector<1024x768xbf16>
    %get3A_21 = arith.constant 0 : index
    %get3A_22 = arith.constant 0 : index
    %get3A_23 = vector.load %arg6[%get3A_21, %get3A_22] : memref<1024x768xbf16, #tpu.memory_space<vmem>>, vector<1024x768xbf16>
    %dot_general3A = arith.constant dense<0.000000e+00> : vector<512x1024xf32>
    %dot_general3A_24 = tpu.matmul %convert_element_type3A_9, %get3A_17, %dot_general3A {dimension_numbers = #tpu.dot_dimension_numbers<[1], [1], [0], [0], [0, 0, 1, 0], [], []>, transpose_lhs_hint = false} : vector<512x768xbf16>, vector<1024x768xbf16>, vector<512x1024xf32> -> vector<512x1024xf32>
    %dot_general3A_25 = arith.constant dense<0.000000e+00> : vector<512x1024xf32>
    %dot_general3A_26 = tpu.matmul %convert_element_type3A_9, %get3A_20, %dot_general3A_25 {dimension_numbers = #tpu.dot_dimension_numbers<[1], [1], [0], [0], [0, 0, 1, 0], [], []>, transpose_lhs_hint = false} : vector<512x768xbf16>, vector<1024x768xbf16>, vector<512x1024xf32> -> vector<512x1024xf32>
    %dot_general3A_27 = arith.constant dense<0.000000e+00> : vector<512x1024xf32>
    %dot_general3A_28 = tpu.matmul %convert_element_type3A_11, %get3A_17, %dot_general3A_27 {dimension_numbers = #tpu.dot_dimension_numbers<[1], [1], [0], [0], [0, 0, 1, 0], [], []>, transpose_lhs_hint = false} : vector<512x768xbf16>, vector<1024x768xbf16>, vector<512x1024xf32> -> vector<512x1024xf32>
    %add3A = arith.addf %dot_general3A_26, %dot_general3A_28 : vector<512x1024xf32>
    %add3A_29 = arith.addf %dot_general3A_24, %add3A : vector<512x1024xf32>
    %dot_general3A_30 = arith.constant dense<0.000000e+00> : vector<512x1024xf32>
    %dot_general3A_31 = tpu.matmul %convert_element_type3A_9, %get3A_23, %dot_general3A_30 {dimension_numbers = #tpu.dot_dimension_numbers<[1], [1], [0], [0], [0, 0, 1, 0], [], []>, transpose_lhs_hint = false} : vector<512x768xbf16>, vector<1024x768xbf16>, vector<512x1024xf32> -> vector<512x1024xf32>
    %dot_general3A_32 = arith.constant dense<0.000000e+00> : vector<512x1024xf32>
    %dot_general3A_33 = tpu.matmul %convert_element_type3A_11, %get3A_20, %dot_general3A_32 {dimension_numbers = #tpu.dot_dimension_numbers<[1], [1], [0], [0], [0, 0, 1, 0], [], []>, transpose_lhs_hint = false} : vector<512x768xbf16>, vector<1024x768xbf16>, vector<512x1024xf32> -> vector<512x1024xf32>
    %add3A_34 = arith.addf %dot_general3A_31, %dot_general3A_33 : vector<512x1024xf32>
    %dot_general3A_35 = arith.constant dense<0.000000e+00> : vector<512x1024xf32>
    %dot_general3A_36 = tpu.matmul %convert_element_type3A_14, %get3A_17, %dot_general3A_35 {dimension_numbers = #tpu.dot_dimension_numbers<[1], [1], [0], [0], [0, 0, 1, 0], [], []>, transpose_lhs_hint = false} : vector<512x768xbf16>, vector<1024x768xbf16>, vector<512x1024xf32> -> vector<512x1024xf32>
    %add3A_37 = arith.addf %add3A_34, %dot_general3A_36 : vector<512x1024xf32>
    %add3A_38 = arith.addf %add3A_29, %add3A_37 : vector<512x1024xf32>
    %neg3A = arith.constant 0.000000e+00 : f32
    %neg3A_39 = vector.broadcast %neg3A : f32 to vector<512x1024xf32>
    %neg3A_40 = arith.subf %neg3A_39, %add3A_38 : vector<512x1024xf32>
    %iota3A = tpu.iota {dimensions = array<i32: 0>} : vector<512x1024xi32>
    %mul3A_41 = arith.constant 512 : i32
    %mul3A_42 = arith.muli %arg0, %mul3A_41 : i32
    %add3A_43 = vector.broadcast %mul3A_42 : i32 to vector<512x1024xi32>
    %add3A_44 = arith.addi %iota3A, %add3A_43 : vector<512x1024xi32>
    %reduce_max3A = arith.constant dense<0xFF800000> : vector<1024xf32>
    %reduce_max3A_45 = vector.multi_reduction <maximumf>, %neg3A_40, %reduce_max3A [0] : vector<512x1024xf32> to vector<1024xf32>
    %broadcast_in_dim3A_46 = vector.shape_cast %reduce_max3A_45 : vector<1024xf32> to vector<1x1024xf32>
    %eq3A_47 = vector.broadcast %broadcast_in_dim3A_46 : vector<1x1024xf32> to vector<512x1024xf32>
    %eq3A_48 = arith.cmpf oeq, %neg3A_40, %eq3A_47 : vector<512x1024xf32>
    %jit3A = arith.constant 1073741824 : i32
    %broadcast_in_dim3A_49 = vector.broadcast %jit3A : i32 to vector<512x1024xi32>
    %select_n3A = arith.select %eq3A_48, %add3A_44, %broadcast_in_dim3A_49 : vector<512x1024xi1>, vector<512x1024xi32>
    %reduce_min3A = arith.constant dense<2147483647> : vector<1024xi32>
    %reduce_min3A_50 = vector.multi_reduction <minsi>, %select_n3A, %reduce_min3A [0] : vector<512x1024xi32> to vector<1024xi32>
    %broadcast_in_dim3A_51 = vector.shape_cast %reduce_min3A_50 : vector<1024xi32> to vector<1x1024xi32>
    %eq3A_52 = vector.broadcast %broadcast_in_dim3A_51 : vector<1x1024xi32> to vector<512x1024xi32>
    %eq3A_53 = arith.cmpi eq, %add3A_44, %eq3A_52 : vector<512x1024xi32>
    %jit3A_54 = arith.constant 0xFF800000 : f32
    %broadcast_in_dim3A_55 = vector.broadcast %jit3A_54 : f32 to vector<512x1024xf32>
    %select_n3A_56 = arith.select %eq3A_53, %broadcast_in_dim3A_55, %neg3A_40 : vector<512x1024xi1>, vector<512x1024xf32>
    %reduce_max3A_57 = arith.constant dense<0xFF800000> : vector<1024xf32>
    %reduce_max3A_58 = vector.multi_reduction <maximumf>, %select_n3A_56, %reduce_max3A_57 [0] : vector<512x1024xf32> to vector<1024xf32>
    %broadcast_in_dim3A_59 = vector.shape_cast %reduce_max3A_58 : vector<1024xf32> to vector<1x1024xf32>
    %eq3A_60 = vector.broadcast %broadcast_in_dim3A_59 : vector<1x1024xf32> to vector<512x1024xf32>
    %eq3A_61 = arith.cmpf oeq, %select_n3A_56, %eq3A_60 : vector<512x1024xf32>
    %jit3A_62 = arith.constant 1073741824 : i32
    %broadcast_in_dim3A_63 = vector.broadcast %jit3A_62 : i32 to vector<512x1024xi32>
    %select_n3A_64 = arith.select %eq3A_61, %add3A_44, %broadcast_in_dim3A_63 : vector<512x1024xi1>, vector<512x1024xi32>
    %reduce_min3A_65 = arith.constant dense<2147483647> : vector<1024xi32>
    %reduce_min3A_66 = vector.multi_reduction <minsi>, %select_n3A_64, %reduce_min3A_65 [0] : vector<512x1024xi32> to vector<1024xi32>
    %broadcast_in_dim3A_67 = vector.shape_cast %reduce_min3A_66 : vector<1024xi32> to vector<1x1024xi32>
    %eq3A_68 = vector.broadcast %broadcast_in_dim3A_67 : vector<1x1024xi32> to vector<512x1024xi32>
    %eq3A_69 = arith.cmpi eq, %add3A_44, %eq3A_68 : vector<512x1024xi32>
    %jit3A_70 = arith.constant 0xFF800000 : f32
    %broadcast_in_dim3A_71 = vector.broadcast %jit3A_70 : f32 to vector<512x1024xf32>
    %select_n3A_72 = arith.select %eq3A_69, %broadcast_in_dim3A_71, %select_n3A_56 : vector<512x1024xi1>, vector<512x1024xf32>
    %reduce_max3A_73 = arith.constant dense<0xFF800000> : vector<1024xf32>
    %reduce_max3A_74 = vector.multi_reduction <maximumf>, %select_n3A_72, %reduce_max3A_73 [0] : vector<512x1024xf32> to vector<1024xf32>
    %broadcast_in_dim3A_75 = vector.shape_cast %reduce_max3A_74 : vector<1024xf32> to vector<1x1024xf32>
    %eq3A_76 = vector.broadcast %broadcast_in_dim3A_75 : vector<1x1024xf32> to vector<512x1024xf32>
    %eq3A_77 = arith.cmpf oeq, %select_n3A_72, %eq3A_76 : vector<512x1024xf32>
    %jit3A_78 = arith.constant 1073741824 : i32
    %broadcast_in_dim3A_79 = vector.broadcast %jit3A_78 : i32 to vector<512x1024xi32>
    %select_n3A_80 = arith.select %eq3A_77, %add3A_44, %broadcast_in_dim3A_79 : vector<512x1024xi1>, vector<512x1024xi32>
    %reduce_min3A_81 = arith.constant dense<2147483647> : vector<1024xi32>
    %reduce_min3A_82 = vector.multi_reduction <minsi>, %select_n3A_80, %reduce_min3A_81 [0] : vector<512x1024xi32> to vector<1024xi32>
    %broadcast_in_dim3A_83 = vector.shape_cast %reduce_min3A_82 : vector<1024xi32> to vector<1x1024xi32>
    %eq3A_84 = vector.broadcast %broadcast_in_dim3A_83 : vector<1x1024xi32> to vector<512x1024xi32>
    %eq3A_85 = arith.cmpi eq, %add3A_44, %eq3A_84 : vector<512x1024xi32>
    %jit3A_86 = arith.constant 0xFF800000 : f32
    %broadcast_in_dim3A_87 = vector.broadcast %jit3A_86 : f32 to vector<512x1024xf32>
    %select_n3A_88 = arith.select %eq3A_85, %broadcast_in_dim3A_87, %select_n3A_72 : vector<512x1024xi1>, vector<512x1024xf32>
    %reduce_max3A_89 = arith.constant dense<0xFF800000> : vector<1024xf32>
    %reduce_max3A_90 = vector.multi_reduction <maximumf>, %select_n3A_88, %reduce_max3A_89 [0] : vector<512x1024xf32> to vector<1024xf32>
    %broadcast_in_dim3A_91 = vector.shape_cast %reduce_max3A_90 : vector<1024xf32> to vector<1x1024xf32>
    %eq3A_92 = vector.broadcast %broadcast_in_dim3A_91 : vector<1x1024xf32> to vector<512x1024xf32>
    %eq3A_93 = arith.cmpf oeq, %select_n3A_88, %eq3A_92 : vector<512x1024xf32>
    %jit3A_94 = arith.constant 1073741824 : i32
    %broadcast_in_dim3A_95 = vector.broadcast %jit3A_94 : i32 to vector<512x1024xi32>
    %select_n3A_96 = arith.select %eq3A_93, %add3A_44, %broadcast_in_dim3A_95 : vector<512x1024xi1>, vector<512x1024xi32>
    %reduce_min3A_97 = arith.constant dense<2147483647> : vector<1024xi32>
    %reduce_min3A_98 = vector.multi_reduction <minsi>, %select_n3A_96, %reduce_min3A_97 [0] : vector<512x1024xi32> to vector<1024xi32>
    %broadcast_in_dim3A_99 = vector.shape_cast %reduce_min3A_98 : vector<1024xi32> to vector<1x1024xi32>
    %broadcast_in_dim3A_100 = arith.constant 0xFF800000 : f32
    %broadcast_in_dim3A_101 = vector.broadcast %broadcast_in_dim3A_100 : f32 to vector<4x1024xf32>
    %broadcast_in_dim3A_102 = arith.constant 1073741824 : i32
    %broadcast_in_dim3A_103 = vector.broadcast %broadcast_in_dim3A_102 : i32 to vector<4x1024xi32>
    %concatenate3A = tpu.concatenate %broadcast_in_dim3A_46, %broadcast_in_dim3A_59, %broadcast_in_dim3A_75, %broadcast_in_dim3A_91 in 0 : vector<1x1024xf32>, vector<1x1024xf32>, vector<1x1024xf32>, vector<1x1024xf32> -> vector<4x1024xf32>
    %concatenate3A_104 = tpu.concatenate %concatenate3A, %broadcast_in_dim3A_101 in 0 : vector<4x1024xf32>, vector<4x1024xf32> -> vector<8x1024xf32>
    %swap3A = arith.index_cast %arg0 : i32 to index
    %swap3A_105 = arith.constant 0 : index
    %swap3A_106 = arith.constant 0 : index
    %swap3A_107 = vector.load %arg7[%swap3A, %swap3A_105, %swap3A_106] : memref<16x8x1024xf32, #tpu.memory_space<vmem>>, vector<1x8x1024xf32>
    %swap3A_108 = vector.shape_cast %swap3A_107 : vector<1x8x1024xf32> to vector<8x1024xf32>
    %swap3A_109 = vector.shape_cast %concatenate3A_104 : vector<8x1024xf32> to vector<1x8x1024xf32>
    tpu.vector_store %arg7[%swap3A, %swap3A_105, %swap3A_106], %swap3A_109 {strides = array<i32>} : memref<16x8x1024xf32, #tpu.memory_space<vmem>>, vector<1x8x1024xf32>,
    %concatenate3A_110 = tpu.concatenate %broadcast_in_dim3A_51, %broadcast_in_dim3A_67, %broadcast_in_dim3A_83, %broadcast_in_dim3A_99 in 0 : vector<1x1024xi32>, vector<1x1024xi32>, vector<1x1024xi32>, vector<1x1024xi32> -> vector<4x1024xi32>
    %concatenate3A_111 = tpu.concatenate %concatenate3A_110, %broadcast_in_dim3A_103 in 0 : vector<4x1024xi32>, vector<4x1024xi32> -> vector<8x1024xi32>
    %swap3A_112 = arith.index_cast %arg0 : i32 to index
    %swap3A_113 = arith.constant 0 : index
    %swap3A_114 = arith.constant 0 : index
    %swap3A_115 = vector.load %arg8[%swap3A_112, %swap3A_113, %swap3A_114] : memref<16x8x1024xi32, #tpu.memory_space<vmem>>, vector<1x8x1024xi32>
    %swap3A_116 = vector.shape_cast %swap3A_115 : vector<1x8x1024xi32> to vector<8x1024xi32>
    %swap3A_117 = vector.shape_cast %concatenate3A_111 : vector<8x1024xi32> to vector<1x8x1024xi32>
    tpu.vector_store %arg8[%swap3A_112, %swap3A_113, %swap3A_114], %swap3A_117 {strides = array<i32>} : memref<16x8x1024xi32, #tpu.memory_space<vmem>>, vector<1x8x1024xi32>,
    %eq3A_118 = arith.constant 15 : i32
    %eq3A_119 = arith.cmpi eq, %arg0, %eq3A_118 : i32
    %convert_element_type3A_120 = arith.extui %eq3A_119 : i1 to i32
    %cond3A_121 = arith.constant 0 : i32
    %cond3A_122 = arith.cmpi ne, %convert_element_type3A_120, %cond3A_121 : i32
    scf.if %cond3A_122 {
      %get3A_123 = arith.constant 0 : index
      %get3A_124 = arith.constant 0 : index
      %get3A_125 = arith.constant 0 : index
      %get3A_126 = vector.load %arg7[%get3A_123, %get3A_124, %get3A_125] : memref<16x8x1024xf32, #tpu.memory_space<vmem>>, vector<16x8x1024xf32>
      %reshape3A = vector.shape_cast %get3A_126 : vector<16x8x1024xf32> to vector<128x1024xf32>
      %get3A_127 = arith.constant 0 : index
      %get3A_128 = arith.constant 0 : index
      %get3A_129 = arith.constant 0 : index
      %get3A_130 = vector.load %arg8[%get3A_127, %get3A_128, %get3A_129] : memref<16x8x1024xi32, #tpu.memory_space<vmem>>, vector<16x8x1024xi32>
      %reshape3A_131 = vector.shape_cast %get3A_130 : vector<16x8x1024xi32> to vector<128x1024xi32>
      %reduce_max3A_132 = arith.constant dense<0xFF800000> : vector<1024xf32>
      %reduce_max3A_133 = vector.multi_reduction <maximumf>, %reshape3A, %reduce_max3A_132 [0] : vector<128x1024xf32> to vector<1024xf32>
      %broadcast_in_dim3A_134 = vector.shape_cast %reduce_max3A_133 : vector<1024xf32> to vector<1x1024xf32>
      %eq3A_135 = vector.broadcast %broadcast_in_dim3A_134 : vector<1x1024xf32> to vector<128x1024xf32>
      %eq3A_136 = arith.cmpf oeq, %reshape3A, %eq3A_135 : vector<128x1024xf32>
      %jit3A_137 = arith.constant 1073741824 : i32
      %broadcast_in_dim3A_138 = vector.broadcast %jit3A_137 : i32 to vector<128x1024xi32>
      %select_n3A_139 = arith.select %eq3A_136, %reshape3A_131, %broadcast_in_dim3A_138 : vector<128x1024xi1>, vector<128x1024xi32>
      %reduce_min3A_140 = arith.constant dense<2147483647> : vector<1024xi32>
      %reduce_min3A_141 = vector.multi_reduction <minsi>, %select_n3A_139, %reduce_min3A_140 [0] : vector<128x1024xi32> to vector<1024xi32>
      %broadcast_in_dim3A_142 = vector.shape_cast %reduce_min3A_141 : vector<1024xi32> to vector<1x1024xi32>
      %eq3A_143 = vector.broadcast %broadcast_in_dim3A_142 : vector<1x1024xi32> to vector<128x1024xi32>
      %eq3A_144 = arith.cmpi eq, %reshape3A_131, %eq3A_143 : vector<128x1024xi32>
      %jit3A_145 = arith.constant 0xFF800000 : f32
      %broadcast_in_dim3A_146 = vector.broadcast %jit3A_145 : f32 to vector<128x1024xf32>
      %select_n3A_147 = arith.select %eq3A_144, %broadcast_in_dim3A_146, %reshape3A : vector<128x1024xi1>, vector<128x1024xf32>
      %mul3A_148 = arith.constant 2 : i32
      %mul3A_149 = vector.broadcast %mul3A_148 : i32 to vector<1x1024xi32>
      %mul3A_150 = arith.muli %mul3A_149, %broadcast_in_dim3A_142 : vector<1x1024xi32>
      %mul3A_151 = arith.constant 2 : i32
      %mul3A_152 = vector.broadcast %mul3A_151 : i32 to vector<1x1024xi32>
      %mul3A_153 = arith.muli %mul3A_152, %broadcast_in_dim3A_142 : vector<1x1024xi32>
      %add3A_154 = arith.constant 1 : i32
      %add3A_155 = vector.broadcast %add3A_154 : i32 to vector<1x1024xi32>
      %add3A_156 = arith.addi %mul3A_153, %add3A_155 : vector<1x1024xi32>
      %reduce_max3A_157 = arith.constant dense<0xFF800000> : vector<1024xf32>
      %reduce_max3A_158 = vector.multi_reduction <maximumf>, %select_n3A_147, %reduce_max3A_157 [0] : vector<128x1024xf32> to vector<1024xf32>
      %broadcast_in_dim3A_159 = vector.shape_cast %reduce_max3A_158 : vector<1024xf32> to vector<1x1024xf32>
      %eq3A_160 = vector.broadcast %broadcast_in_dim3A_159 : vector<1x1024xf32> to vector<128x1024xf32>
      %eq3A_161 = arith.cmpf oeq, %select_n3A_147, %eq3A_160 : vector<128x1024xf32>
      %jit3A_162 = arith.constant 1073741824 : i32
      %broadcast_in_dim3A_163 = vector.broadcast %jit3A_162 : i32 to vector<128x1024xi32>
      %select_n3A_164 = arith.select %eq3A_161, %reshape3A_131, %broadcast_in_dim3A_163 : vector<128x1024xi1>, vector<128x1024xi32>
      %reduce_min3A_165 = arith.constant dense<2147483647> : vector<1024xi32>
      %reduce_min3A_166 = vector.multi_reduction <minsi>, %select_n3A_164, %reduce_min3A_165 [0] : vector<128x1024xi32> to vector<1024xi32>
      %broadcast_in_dim3A_167 = vector.shape_cast %reduce_min3A_166 : vector<1024xi32> to vector<1x1024xi32>
      %eq3A_168 = vector.broadcast %broadcast_in_dim3A_167 : vector<1x1024xi32> to vector<128x1024xi32>
      %eq3A_169 = arith.cmpi eq, %reshape3A_131, %eq3A_168 : vector<128x1024xi32>
      %jit3A_170 = arith.constant 0xFF800000 : f32
      %broadcast_in_dim3A_171 = vector.broadcast %jit3A_170 : f32 to vector<128x1024xf32>
      %select_n3A_172 = arith.select %eq3A_169, %broadcast_in_dim3A_171, %select_n3A_147 : vector<128x1024xi1>, vector<128x1024xf32>
      %mul3A_173 = arith.constant 2 : i32
      %mul3A_174 = vector.broadcast %mul3A_173 : i32 to vector<1x1024xi32>
      %mul3A_175 = arith.muli %mul3A_174, %broadcast_in_dim3A_167 : vector<1x1024xi32>
      %mul3A_176 = arith.constant 2 : i32
      %mul3A_177 = vector.broadcast %mul3A_176 : i32 to vector<1x1024xi32>
      %mul3A_178 = arith.muli %mul3A_177, %broadcast_in_dim3A_167 : vector<1x1024xi32>
      %add3A_179 = arith.constant 1 : i32
      %add3A_180 = vector.broadcast %add3A_179 : i32 to vector<1x1024xi32>
      %add3A_181 = arith.addi %mul3A_178, %add3A_180 : vector<1x1024xi32>
      %reduce_max3A_182 = arith.constant dense<0xFF800000> : vector<1024xf32>
      %reduce_max3A_183 = vector.multi_reduction <maximumf>, %select_n3A_172, %reduce_max3A_182 [0] : vector<128x1024xf32> to vector<1024xf32>
      %broadcast_in_dim3A_184 = vector.shape_cast %reduce_max3A_183 : vector<1024xf32> to vector<1x1024xf32>
      %eq3A_185 = vector.broadcast %broadcast_in_dim3A_184 : vector<1x1024xf32> to vector<128x1024xf32>
      %eq3A_186 = arith.cmpf oeq, %select_n3A_172, %eq3A_185 : vector<128x1024xf32>
      %jit3A_187 = arith.constant 1073741824 : i32
      %broadcast_in_dim3A_188 = vector.broadcast %jit3A_187 : i32 to vector<128x1024xi32>
      %select_n3A_189 = arith.select %eq3A_186, %reshape3A_131, %broadcast_in_dim3A_188 : vector<128x1024xi1>, vector<128x1024xi32>
      %reduce_min3A_190 = arith.constant dense<2147483647> : vector<1024xi32>
      %reduce_min3A_191 = vector.multi_reduction <minsi>, %select_n3A_189, %reduce_min3A_190 [0] : vector<128x1024xi32> to vector<1024xi32>
      %broadcast_in_dim3A_192 = vector.shape_cast %reduce_min3A_191 : vector<1024xi32> to vector<1x1024xi32>
      %eq3A_193 = vector.broadcast %broadcast_in_dim3A_192 : vector<1x1024xi32> to vector<128x1024xi32>
      %eq3A_194 = arith.cmpi eq, %reshape3A_131, %eq3A_193 : vector<128x1024xi32>
      %jit3A_195 = arith.constant 0xFF800000 : f32
      %broadcast_in_dim3A_196 = vector.broadcast %jit3A_195 : f32 to vector<128x1024xf32>
      %select_n3A_197 = arith.select %eq3A_194, %broadcast_in_dim3A_196, %select_n3A_172 : vector<128x1024xi1>, vector<128x1024xf32>
      %mul3A_198 = arith.constant 2 : i32
      %mul3A_199 = vector.broadcast %mul3A_198 : i32 to vector<1x1024xi32>
      %mul3A_200 = arith.muli %mul3A_199, %broadcast_in_dim3A_192 : vector<1x1024xi32>
      %mul3A_201 = arith.constant 2 : i32
      %mul3A_202 = vector.broadcast %mul3A_201 : i32 to vector<1x1024xi32>
      %mul3A_203 = arith.muli %mul3A_202, %broadcast_in_dim3A_192 : vector<1x1024xi32>
      %add3A_204 = arith.constant 1 : i32
      %add3A_205 = vector.broadcast %add3A_204 : i32 to vector<1x1024xi32>
      %add3A_206 = arith.addi %mul3A_203, %add3A_205 : vector<1x1024xi32>
      %reduce_max3A_207 = arith.constant dense<0xFF800000> : vector<1024xf32>
      %reduce_max3A_208 = vector.multi_reduction <maximumf>, %select_n3A_197, %reduce_max3A_207 [0] : vector<128x1024xf32> to vector<1024xf32>
      %broadcast_in_dim3A_209 = vector.shape_cast %reduce_max3A_208 : vector<1024xf32> to vector<1x1024xf32>
      %eq3A_210 = vector.broadcast %broadcast_in_dim3A_209 : vector<1x1024xf32> to vector<128x1024xf32>
      %eq3A_211 = arith.cmpf oeq, %select_n3A_197, %eq3A_210 : vector<128x1024xf32>
      %jit3A_212 = arith.constant 1073741824 : i32
      %broadcast_in_dim3A_213 = vector.broadcast %jit3A_212 : i32 to vector<128x1024xi32>
      %select_n3A_214 = arith.select %eq3A_211, %reshape3A_131, %broadcast_in_dim3A_213 : vector<128x1024xi1>, vector<128x1024xi32>
      %reduce_min3A_215 = arith.constant dense<2147483647> : vector<1024xi32>
      %reduce_min3A_216 = vector.multi_reduction <minsi>, %select_n3A_214, %reduce_min3A_215 [0] : vector<128x1024xi32> to vector<1024xi32>
      %broadcast_in_dim3A_217 = vector.shape_cast %reduce_min3A_216 : vector<1024xi32> to vector<1x1024xi32>
      %mul3A_218 = arith.constant 2 : i32
      %mul3A_219 = vector.broadcast %mul3A_218 : i32 to vector<1x1024xi32>
      %mul3A_220 = arith.muli %mul3A_219, %broadcast_in_dim3A_217 : vector<1x1024xi32>
      %mul3A_221 = arith.constant 2 : i32
      %mul3A_222 = vector.broadcast %mul3A_221 : i32 to vector<1x1024xi32>
      %mul3A_223 = arith.muli %mul3A_222, %broadcast_in_dim3A_217 : vector<1x1024xi32>
      %add3A_224 = arith.constant 1 : i32
      %add3A_225 = vector.broadcast %add3A_224 : i32 to vector<1x1024xi32>
      %add3A_226 = arith.addi %mul3A_223, %add3A_225 : vector<1x1024xi32>
      %concatenate3A_227 = tpu.concatenate %mul3A_150, %add3A_156, %mul3A_175, %add3A_181, %mul3A_200, %add3A_206, %mul3A_220, %add3A_226 in 0 : vector<1x1024xi32>, vector<1x1024xi32>, vector<1x1024xi32>, vector<1x1024xi32>, vector<1x1024xi32>, vector<1x1024xi32>, vector<1x1024xi32>, vector<1x1024xi32> -> vector<8x1024xi32>
      %swap3A_228 = arith.constant 0 : index
      %swap3A_229 = arith.constant 0 : index
      %swap3A_230 = vector.load %arg3[%swap3A_228, %swap3A_229] : memref<8x1024xi32, #tpu.memory_space<vmem>>, vector<8x1024xi32>
      tpu.vector_store %arg3[%swap3A_228, %swap3A_229], %concatenate3A_227 {strides = array<i32>} : memref<8x1024xi32, #tpu.memory_space<vmem>>, vector<8x1024xi32>,
    } else {
    }
    return
  }
  func.func @transform_0(%arg0: i32) -> (i32, i32) {
    %c0_i32 = arith.constant 0 : i32
    %c0_i32_0 = arith.constant 0 : i32
    %c0_i32_1 = arith.constant 0 : i32
    return %c0_i32, %c0_i32_0 : i32, i32
  }
  func.func @transform_1(%arg0: i32) -> (i32, i32) {
    %c0_i32 = arith.constant 0 : i32
    %c0_i32_0 = arith.constant 0 : i32
    return %arg0, %c0_i32 : i32, i32
  }
  func.func @transform_2(%arg0: i32) -> (i32, i32) {
    %c0_i32 = arith.constant 0 : i32
    %c0_i32_0 = arith.constant 0 : i32
    %c0_i32_1 = arith.constant 0 : i32
    return %c0_i32, %c0_i32_0 : i32, i32
  }
}

</mosaic_0001>

<sc_bundles>
// kernel: kernel.4.cloned.1.call-start
scs
__scs_entry_jumppad:
0x0: {  	(pc) =	sbr.rel $0x88, $3  }
0x1: {  	(tag) =	ssettag $0x0;
	lr =	simm.s32 $0x1  }
0x2: {  	[smem:$0x3F9E] =	sst lr;
	_ =	strace $0xD0000000  }
0x3: {  	_ = 	snop  }
0x4: {  	_ = 	snop  }
0x5: {  	_ = 	snop  }
0x6: {  	_ = 	snop  }
0x7: {  	_ = 	snop  }
__scs_overlays_trampoline_lowered:
0x8: {  	[smem:$0x3FAD] =	sst s0  }
0x9: {  	[smem:$0x3FAE] =	sst s1  }
0xa: {  	[smem:$0x3FAF] =	sst s2  }
0xb: {  	[smem:$0x3FB0] =	sst s3  }
0xc: {  	[smem:$0x3FB1] =	sst s4  }
0xd: {  	[smem:$0x3FB2] =	sst s5  }
0xe: {  	[smem:$0x3FB3] =	sst s6  }
0xf: {  	[smem:$0x3FB4] =	sst s7  }
0x10: {  	[smem:$0x3FB5] =	sst s8  }
0x11: {  	[smem:$0x3FB6] =	sst s9;
	s0 =	simm.s32 @!p0 $0x0  }
0x12: {  	s1 =	sld [smem:$0x3F9C];
	s0 =	simm.s32 @p0 $0x1  }
0x13: {  	[smem:$0x3FB7] =	sst s0;
	s0 =	simm.s32 @!p1 $0x0  }
0x14: {  	s2 =	sld [smem:$0x3F9B];
	s0 =	simm.s32 @p1 $0x1  }
0x15: {  	[smem:$0x3FB8] =	sst s0;
	s0 =	simm.s32 @!p2 $0x0  }
0x16: {  	s3 =	sld [smem:$0x3FDB];
	s0 =	simm.s32 @p2 $0x1  }
0x17: {  	s4 =	simm.s32 $0x1BF5;
	[smem:$0x3FBA] =	sst s0  }
0x18: {  	s0 =	sld [smem:$0x3F9D];
	_ =	swait.ge [sflag:s4], $0x0  }
0x19: {  	s7 =	sld [smem:$0x3F9E]  }
0x1a: {  	s8 =	sadd.s32 $0xFFFFE003, lr  }
0x1b: {  	s9 =	sadd.s32 $0xFFFFFEF7, lr;
	s5 =	simm.s32 $0xFFFFFFFF;
	p2 =	slt.u32 s8, $0xFFFFF086  }
0x1c: {  	p1 =	slt.u32 s9, $0xF7A;
	s5 =	simm.s32 @!p2 $0x0  }
0x1d: {  	s5 =	simm.s32 @p1 $0x1;
	p0 =	seq.s32 s7, s2  }
0x1e: {  	s7 =	smul.u32 @!p0 $0xF7A, s2;
	p2 =	seq.s32 @!p0 s5, $0x0  }
0x1f: {  	s9 =	smul.u32 $0xF7A, s1;
	s8 =	simm.s32 @!p0 $0x1BF5;
	p2 =	por !p2, p0  }
0x20: {  	[sflag:s8] =	ssyncset.s32 @!p0 $0xFFFFF086;
	s6 =	sadd.s32 @!p0 s3, s7;
	s7 =	simm.s32 @!p0 $0x108  }
0x21: {  	s3 =	sadd.s32 s3, s9;
	s6 =	sadd.s32 @!p0 $0x88, s6;
	s7 =	simm.s32 @p2 $0x1082  }
0x22: {  	[simem:s7], [sflag:s8] =	dma.local @!p0 [hbm:s6], $0xF7A  }
0x23: {  	s9 =	sor.u32 $0xD0000000, s2;
	s6 =	simm.s32 $0x108;
	_ =	swait.ge @!p0 [sflag:s8], $0x0  }
0x24: {  	s3 =	sadd.s32 $0x88, s3;
	s6 =	simm.s32 @!p1 $0x1082;
	[sflag:s4] =	ssyncset.s32 $0xFFFFF086  }
0x25: {  	[simem:s6], [sflag:s4] =	dma.local [hbm:s3], $0xF7A  }
0x26: {  	[smem:$0x3F9E] =	sst s1;
	(tag) =	ssettag s2;
	_ =	strace s9  }
0x27: {  	s1 =	sld [smem:$0x3FAE]  }
0x28: {  	s2 =	sld [smem:$0x3FAF]  }
0x29: {  	s4 =	sld [smem:$0x3FB1]  }
0x2a: {  	p0 =	seq.s32 s5, $0x0;
	s5 =	sld [smem:$0x3FB2]  }
0x2b: {  	s6 =	sld [smem:$0x3FB3]  }
0x2c: {  	s7 =	sld [smem:$0x3FB4]  }
0x2d: {  	s3 =	simm.s32 $0x108;
	s8 =	sld [smem:$0x3FB5]  }
0x2e: {  	s3 =	simm.s32 @!p0 $0x1082;
	s9 =	sld [smem:$0x3FB6]  }
0x2f: {  	lr =	sadd.s32 s0, s3;
	s0 =	sld [smem:$0x3FAD]  }
0x30: {  	s3 =	sld [smem:$0x3FB0]  }
0x31: {  	[smem:$0x3FB9] =	sst s10  }
0x32: {  	s10 =	sld [smem:$0x3FB7];
	_ =	sdelay $0x3  }
0x33: {  	p0 =	seq.s32 s10, $0x1;
	s10 =	sld [smem:$0x3FB9];
	_ =	sdelay $0x3  }
0x34: {  	[smem:$0x3FB9] =	sst s10  }
0x35: {  	s10 =	sld [smem:$0x3FB8];
	_ =	sdelay $0x3  }
0x36: {  	p1 =	seq.s32 s10, $0x1;
	s10 =	sld [smem:$0x3FB9];
	_ =	sdelay $0x3  }
0x37: {  	[smem:$0x3FB9] =	sst s10  }
0x38: {  	s10 =	sld [smem:$0x3FBA]  }
0x39: {  	_ = 	snop;
	(pc) =	sbr.ind lr, $3  }
0x3a: {  	_ = 	snop  }
0x3b: {  	_ = 	snop  }
0x3c: {  	p2 =	seq.s32 s10, $0x1;
	s10 =	sld [smem:$0x3FB9]  }
0x3d: {  	_ =	shalt  }
0x3e: {  	_ =	shalt  }
0x3f: {  	_ =	shalt  }
0x40: {  	_ =	shalt  }
0x41: {  	_ =	shalt  }
0x42: {  	_ =	shalt  }
0x43: {  	_ =	shalt  }
0x44: {  	_ =	shalt  }
0x45: {  	_ =	shalt  }
0x46: {  	_ =	shalt  }
0x47: {  	_ =	shalt  }
0x48: {  	_ =	shalt  }
0x49: {  	_ =	shalt  }
0x4a: {  	_ =	shalt  }
0x4b: {  	_ =	shalt  }
0x4c: {  	_ =	shalt  }
0x4d: {  	_ =	shalt  }
0x4e: {  	_ =	shalt  }
0x4f: {  	_ =	shalt  }
0x50: {  	_ =	shalt  }
0x51: {  	_ =	shalt  }
0x52: {  	_ =	shalt  }
0x53: {  	_ =	shalt  }
0x54: {  	_ =	shalt  }
0x55: {  	_ =	shalt  }
0x56: {  	_ =	shalt  }
0x57: {  	_ =	shalt  }
0x58: {  	_ =	shalt  }
0x59: {  	_ =	shalt  }
0x5a: {  	_ =	shalt  }
0x5b: {  	_ =	shalt  }
0x5c: {  	_ =	shalt  }
0x5d: {  	_ =	shalt  }
0x5e: {  	_ =	shalt  }
0x5f: {  	_ =	shalt  }
0x60: {  	_ =	shalt  }
0x61: {  	_ =	shalt  }
0x62: {  	_ =	shalt  }
0x63: {  	_ =	shalt  }
0x64: {  	_ =	shalt  }
0x65: {  	_ =	shalt  }
0x66: {  	_ =	shalt  }
0x67: {  	_ =	shalt  }
0x68: {  	_ =	shalt  }
0x69: {  	_ =	shalt  }
0x6a: {  	_ =	shalt  }
0x6b: {  	_ =	shalt  }
0x6c: {  	_ =	shalt  }
0x6d: {  	_ =	shalt  }
0x6e: {  	_ =	shalt  }
0x6f: {  	_ =	shalt  }
0x70: {  	_ =	shalt  }
0x71: {  	_ =	shalt  }
0x72: {  	_ =	shalt  }
0x73: {  	_ =	shalt  }
0x74: {  	_ =	shalt  }
0x75: {  	_ =	shalt  }
0x76: {  	_ =	shalt  }
0x77: {  	_ =	shalt  }
0x78: {  	_ =	shalt  }
0x79: {  	_ =	shalt  }
0x7a: {  	_ =	shalt  }
0x7b: {  	_ =	shalt  }
0x7c: {  	_ =	shalt  }
0x7d: {  	_ =	shalt  }
0x7e: {  	_ =	shalt  }
0x7f: {  	_ =	shalt  }
0x80: {  	_ =	shalt  }
0x81: {  	_ =	shalt  }
0x82: {  	_ =	shalt  }
0x83: {  	_ =	shalt  }
0x84: {  	_ =	shalt  }
0x85: {  	_ =	shalt  }
0x86: {  	_ =	shalt  }
0x87: {  	_ =	shalt  }
.Lfunc_end0:
.L_simem_size_0:
called_computation_lowered:
.L_overlay_start_0:
0x88: {  	s2 =	sld [smem:$0x3FD9]  }
0x89: {  	s3 =	sld [smem:$0x3FFE];
	_ =	sdelay $0x1  }
0x8a: {  	s1 =	srdreg.scid  }
0x8b: {  	s0 =	sand.u32 $0x1, s1  }
0x8c: {  	s17 =	sshll.u32 s0, $0xA;
	s2 =	sadd.s32 s3, s2  }
0x8d: {  	s2 =	sadd.s32 s2, s17  }
0x8e: {  	[smem:$0x3FC5] =	sst s2  }
0x8f: {  	_ = 	snop  }
0x90: {  	s2 =	sld [smem:$0x3FC7]  }
0x91: {  	s18 =	sld [smem:$0x3FD0];
	(tm) =	ssettm $0x1  }
0x92: {  	s4 =	sld [smem:$0x3FFB];
	_ =	sdelay $0x3  }
0x93: {  	_ =	strace s4  }
0x94: {  	s4 =	sld [smem:$0x3FFC];
	_ =	sdelay $0x3  }
0x95: {  	_ =	strace s4  }
0x96: {  	s4 =	sld [smem:$0x3FFD];
	_ =	sdelay $0x3  }
0x97: {  	_ =	strace s4  }
0x98: {  	_ =	strace $0x8FFFFFFF  }
0x99: {  	s19 =	sld [smem:$0x3FDB];
	_ =	sdelay $0x1  }
0x9a: {  	s5 =	simm.s32 $_scs_section_size  }
0x9b: {  	s6 =	simm.s32 $_size__tile_overlayer_lowered;
	s7 =	simm.s32 $_tile_overlayer_lowered  }
0x9c: {  	s22 =	simm.s32 $0x1BFF;
	s21 =	sshll.u32 s7, $0x1;
	s4 =	sadd.s32 s5, s19  }
0x9d: {  	s8 =	simm.s32 $0x0;
	s20 =	sshll.u32 s6, $0x1;
	s6 =	sadd.s32 s21, s4  }
0x9e: {  	[timem:s8], [sflag:s22] =	dma.local [hbm:s6], s20  }
0x9f: {  	_ =	swait.ge [sflag:s22], s20  }
0xa0: {  	s5 =	ssub.s32 $0x0, s20;
	[sflag:s22] =	ssyncset.done $0x0  }
0xa1: {  	[sflag:s22] =	ssyncadd.s32 s5;
	_ =	sdelay $0x1  }
0xa2: {  	s23 =	simm.s32 $0x1B8B  }
0xa3: {  	_ =	swait.ge [sflag:s23], $0x1  }
0xa4: {  	[sflag:s23] =	ssyncset.done $0x0  }
0xa5: {  	s25 =	simm.s32 $0x1B8E;
	s24 =	sld [smem:$0x3FFE];
	[sflag:s23] =	ssyncadd.s32 $0xFFFFFFFF  }
0xa6: {  	s26 =	simm.s32 $execute0_lowered;
	[smem:$0x3FD2] =	sst s25  }
0xa7: {  	s6 =	sshll.u32 s26, $0x1;
	_ =	strace $0x80000046;
	[dreg:$0x1] =	wrdreg $0xFFFFFFFF  }
0xa8: {  	s28 =	simm.s32 $_size_execute0_lowered;
	s4 =	sadd.s32 s4, s6;
	[dreg:$0x0] =	wrdreg $0x0  }
0xa9: {  	s6 =	sshll.u32 s28, $0x1;
	[dreg:$0x2] =	wrdreg s4  }
0xaa: {  	[dreg:$0x3] =	wrdreg s6  }
0xab: {  	[dreg:$0x4] =	wrdreg $0xC0  }
0xac: {  	_ =	task [dreg:s8], $0x5FFFF  }
0xad: {  	[dreg:$0x1] =	wrdreg $0xFFFFFFFF  }
0xae: {  	[dreg:$0x0] =	wrdreg $0x60  }
0xaf: {  	[dreg:$0x2] =	wrdreg s2  }
0xb0: {  	[dreg:$0x3] =	wrdreg s24  }
0xb1: {  	[dreg:$0x4] =	wrdreg s18  }
0xb2: {  	[dreg:$0x5] =	wrdreg $0x9  }
0xb3: {  	_ =	task.clear_ibuf [dreg:s8], $0x6FFFF;
	_ =	strace $0x90000046  }
0xb4: {  	s29 =	simm.s32 $0x9;
	_ =	strace $0x80000048  }
0xb5: {  	_ =	swait.ge [sflag:s29], $0x1  }
0xb6: {  	[sflag:s29] =	ssyncadd.s32 $0xFFFFFFFF  }
0xb7: {  	_ =	strace $0x90000048  }
0xb8: {  	_ =	sfence  }
0xb9: {  	s30 =	sld [smem:$0x0];
	_ =	sdelay $0x2  }
0xba: {  	s31 =	sshll.u32 s1, $0xD;
	s1 =	sshrl.u32 s1, $0x2  }
0xbb: {  	s3 =	sand.u32 $0x4000, s31;
	s1 =	sadd.s32 s1, s30  }
0xbc: {  	s0 =	sor.u32 s3, s0;
	s1 =	sshll.u32 s1, $0x11  }
0xbd: {  	s0 =	sor.u32 s1, s0  }
0xbe: {  	s0 =	sadd.s32 $0x8F2B, s0  }
0xbf: {  	[sflag:s0] =	ssyncadd.remote.s32 $0x1  }
0xc0: {  	_ =	sfence.sel $0xFFFF  }
0xc1: {  	[dreg:$0x0] =	wrdreg $0xFFFFFFFF;
	(pc) =	sbr.abs _section_cstart, $3  }
0xc2: {  	[dreg:$0x1] =	wrdreg $0xFFFFFFFF  }
0xc3: {  	_ =	task.clear_ibuf [dreg:s8], $0x2FFFF;
	_ =	strace $0x9FFFFFFF  }
0xc4: {  	(tm) =	ssettm $0x7FFFFFFF  }
0xc5: {  	_ =	shalt  }
tec
execute0_lowered:
.L_overlay_start_1:
0x0: {  	(tag) =	ssettag $0x1  }
0x1: {  	s1 =	rddreg [dreg:$0x0]  }
0x2: {  	s3 =	srdreg.scid;
	s0 =	stileid.u32  }
0x3: {  	s2 =	rddreg [dreg:$0x1];
	s6 =	sand.u32 $0x1, s3;
	s12 =	sshll.u32 s0, $0x1  }
0x4: {  	s5 =	rddreg [dreg:$0x2];
	s7 =	sor.u32 s6, s12  }
0x5: {  	s28 =	simm.s32 $0xD000;
	s4 =	sshll.u32 s7, $0x9;
	s8 =	smul.u32 $0x30000, s7  }
0x6: {  	s29 =	simm.s32 $0x1;
	s3 =	simm.s32 $0x0;
	s2 =	sadd.s32 s4, s2  }
0x7: {  	[smem:$0x7FF] =	sst s3;
	s2 =	sadd.s32 $0x600, s2;
	s4 =	sadd.s32 s5, s8  }
0x8: {  	_ =	strace $0x80000047;
	[dreg:$0x4] =	wrdreg s2;
	s13 =	sadd.s32 $0x1800, s4  }
0x9: {  	s30 =	simm.s32 $0x3;
	s14 =	sadd.s32 $0x3000, s4;
	[dreg:$0x5] =	wrdreg s13  }
0xa: {  	s31 =	simm.s32 $0x2;
	s15 =	sadd.s32 $0x4800, s4;
	[dreg:$0x6] =	wrdreg s14  }
0xb: {  	s24 =	ssub.s32 $0x2, s6;
	s16 =	sadd.s32 $0x6000, s4;
	[dreg:$0x7] =	wrdreg s15  }
0xc: {  	s7 =	smul.u32 $0x180000, s7;
	s17 =	sadd.s32 $0x7800, s4;
	[dreg:$0x8] =	wrdreg s16  }
0xd: {  	s6 =	sshrl.u32 s24, $0x1;
	s18 =	sadd.s32 $0x9000, s4;
	[dreg:$0x9] =	wrdreg s17  }
0xe: {  	s24 =	ssub.s32 s24, s6;
	s19 =	sadd.s32 $0xA800, s4;
	[dreg:$0xa] =	wrdreg s18  }
0xf: {  	s7 =	sshrl.u32 s7, $0x3;
	s20 =	sadd.s32 $0xC000, s4;
	[dreg:$0xb] =	wrdreg s19  }
0x10: {  	s24 =	smax.u32 s24, $0x1;
	s21 =	sadd.s32 $0xD800, s4;
	[dreg:$0xc] =	wrdreg s20  }
0x11: {  	s22 =	sadd.s32 $0xF000, s4;
	s23 =	sadd.s32 s5, s7;
	[dreg:$0xd] =	wrdreg s21  }
0x12: {  	s2 =	simm.s32 $0x4;
	[dreg:$0xe] =	wrdreg s22;
	s25 =	sadd.s32 $0x10800, s23  }
0x13: {  	s26 =	sadd.s32 $0x12000, s23;
	s5 =	sadd.s32 $0x13800, s23;
	s6 =	sadd.s32 $0x15000, s23  }
0x14: {  	s7 =	sadd.s32 $0x16800, s23;
	s8 =	sadd.s32 $0x18000, s23;
	s9 =	sadd.s32 $0x19800, s23  }
0x15: {  	s10 =	sadd.s32 $0x1B000, s23;
	s11 =	sadd.s32 $0x1C800, s23;
	s12 =	sadd.s32 $0x1E000, s23  }
0x16: {  	s13 =	sadd.s32 $0x1F800, s23;
	s14 =	sadd.s32 $0x21000, s23;
	s15 =	sadd.s32 $0x22800, s23  }
0x17: {  	s16 =	sadd.s32 $0x24000, s23;
	s17 =	sadd.s32 $0x25800, s23;
	s18 =	sadd.s32 $0x27000, s23  }
0x18: {  	s19 =	sadd.s32 $0x28800, s23;
	s20 =	sadd.s32 $0x2A000, s23;
	s21 =	sadd.s32 $0x2B800, s23  }
0x19: {  	s22 =	sadd.s32 $0x2D000, s23;
	s23 =	sadd.s32 $0x2E800, s23;
	[dreg:$0xf] =	wrdreg s25  }
0x1a: {  	vm0 =	vmmov $0xff;
	v0 =	vlaneseq.u32;
	[dreg:$0x10] =	wrdreg s26;
	s25 =	simm.s32 $0x5;
	s26 =	simm.s32 $0x1000  }
.LBB2_1:
0x1b: {  	s0 =	rddreg [dreg:$0x4]  }
0x1c: {  	[tilespmem:s3], [sflag:$0x5] =	stream.linear.gather [hbm4b:s0+s3], $0x1000, $0x38;
	[tilespmem:$0x19000] =	vst v63  }
0x1d: {  	_ =	swait.ge [sflag:s25], $0x1000  }
0x1e: {  	[sflag:s25] =	ssyncset.done $0x0  }
0x1f: {  	[sflag:s25] =	ssyncadd.s32 $0xFFFFF000  }
0x20: {  	v1 =	vld.msk [tilespmem:$0x0], $0xff;
	_ =	sdelay $0x4  }
0x21: {  	v1 =	vmul.u32 $0x1800, v1;
	_ =	sdelay $0x1  }
0x22: {  	v1 =	vperm.xlane v1, v0;
	_ =	sdelay $0x5  }
0x23: {  	[tilespmem:s26], [sflag:$0x1] =	stream.indirect_vreg.gather [hbm4b:s1+s3], $0x1800, v1, vm0, $0x38;
	[tilespmem:$0x19000] =	vst v63  }
0x24: {  	v1 =	vld.msk [tilespmem:$0x80], $0xff;
	_ =	sdelay $0x4  }
0x25: {  	v1 =	vmul.u32 $0x1800, v1;
	_ =	sdelay $0x1  }
0x26: {  	v1 =	vperm.xlane v1, v0;
	_ =	sdelay $0x5  }
0x27: {  	[tilespmem:s28], [sflag:$0x2] =	stream.indirect_vreg.gather [hbm4b:s1+s3], $0x1800, v1, vm0, $0x38;
	[tilespmem:$0x19000] =	vst v63  }
0x28: {  	_ =	swait.ge [sflag:s29], $0xC000  }
0x29: {  	[sflag:s29] =	ssyncset.done $0x0  }
0x2a: {  	[sflag:s29] =	ssyncadd.s32 $0xFFFF4000  }
0x2b: {  	[hbm4b:s4+s3] =	stream.linear.scatter [tilespmem:s26], [sflag:$0x3], $0xC000, $0x38;
	[tilespmem:$0x19000] =	vst v63  }
0x2c: {  	_ =	swait.ge [sflag:s30], $0xC000  }
0x2d: {  	[sflag:s30] =	ssyncset.done $0x0  }
0x2e: {  	[sflag:s30] =	ssyncadd.s32 $0xFFFF4000  }
0x2f: {  	v1 =	vld.msk [tilespmem:$0x100], $0xff;
	_ =	sdelay $0x4  }
0x30: {  	v1 =	vmul.u32 $0x1800, v1;
	_ =	sdelay $0x1  }
0x31: {  	v1 =	vperm.xlane v1, v0;
	_ =	sdelay $0x5  }
0x32: {  	[tilespmem:s26], [sflag:$0x1] =	stream.indirect_vreg.gather [hbm4b:s1+s3], $0x1800, v1, vm0, $0x38;
	[tilespmem:$0x19000] =	vst v63  }
0x33: {  	_ =	swait.ge [sflag:s31], $0xC000  }
0x34: {  	[sflag:s31] =	ssyncset.done $0x0  }
0x35: {  	s0 =	rddreg [dreg:$0x5];
	[sflag:s31] =	ssyncadd.s32 $0xFFFF4000  }
0x36: {  	[hbm4b:s0+s3] =	stream.linear.scatter [tilespmem:s28], [sflag:$0x4], $0xC000, $0x38;
	[tilespmem:$0x19000] =	vst v63  }
0x37: {  	_ =	swait.ge [sflag:s2], $0xC000  }
0x38: {  	[sflag:s2] =	ssyncset.done $0x0  }
0x39: {  	[sflag:s2] =	ssyncadd.s32 $0xFFFF4000  }
0x3a: {  	v1 =	vld.msk [tilespmem:$0x180], $0xff;
	_ =	sdelay $0x4  }
0x3b: {  	v1 =	vmul.u32 $0x1800, v1;
	_ =	sdelay $0x1  }
0x3c: {  	v1 =	vperm.xlane v1, v0;
	_ =	sdelay $0x5  }
0x3d: {  	[tilespmem:s28], [sflag:$0x2] =	stream.indirect_vreg.gather [hbm4b:s1+s3], $0x1800, v1, vm0, $0x38;
	[tilespmem:$0x19000] =	vst v63  }
0x3e: {  	_ =	swait.ge [sflag:s29], $0xC000  }
0x3f: {  	[sflag:s29] =	ssyncset.done $0x0  }
0x40: {  	s0 =	rddreg [dreg:$0x6];
	[sflag:s29] =	ssyncadd.s32 $0xFFFF4000  }
0x41: {  	[hbm4b:s0+s3] =	stream.linear.scatter [tilespmem:s26], [sflag:$0x3], $0xC000, $0x38;
	[tilespmem:$0x19000] =	vst v63  }
0x42: {  	_ =	swait.ge [sflag:s30], $0xC000  }
0x43: {  	[sflag:s30] =	ssyncset.done $0x0  }
0x44: {  	[sflag:s30] =	ssyncadd.s32 $0xFFFF4000  }
0x45: {  	v1 =	vld.msk [tilespmem:$0x200], $0xff;
	_ =	sdelay $0x4  }
0x46: {  	v1 =	vmul.u32 $0x1800, v1;
	_ =	sdelay $0x1  }
0x47: {  	v1 =	vperm.xlane v1, v0;
	_ =	sdelay $0x5  }
0x48: {  	[tilespmem:s26], [sflag:$0x1] =	stream.indirect_vreg.gather [hbm4b:s1+s3], $0x1800, v1, vm0, $0x38;
	[tilespmem:$0x19000] =	vst v63  }
0x49: {  	_ =	swait.ge [sflag:s31], $0xC000  }
0x4a: {  	[sflag:s31] =	ssyncset.done $0x0  }
0x4b: {  	s0 =	rddreg [dreg:$0x7];
	[sflag:s31] =	ssyncadd.s32 $0xFFFF4000  }
0x4c: {  	[hbm4b:s0+s3] =	stream.linear.scatter [tilespmem:s28], [sflag:$0x4], $0xC000, $0x38;
	[tilespmem:$0x19000] =	vst v63  }
0x4d: {  	_ =	swait.ge [sflag:s2], $0xC000  }
0x4e: {  	[sflag:s2] =	ssyncset.done $0x0  }
0x4f: {  	[sflag:s2] =	ssyncadd.s32 $0xFFFF4000  }
0x50: {  	v1 =	vld.msk [tilespmem:$0x280], $0xff;
	_ =	sdelay $0x4  }
0x51: {  	v1 =	vmul.u32 $0x1800, v1;
	_ =	sdelay $0x1  }
0x52: {  	v1 =	vperm.xlane v1, v0;
	_ =	sdelay $0x5  }
0x53: {  	[tilespmem:s28], [sflag:$0x2] =	stream.indirect_vreg.gather [hbm4b:s1+s3], $0x1800, v1, vm0, $0x38;
	[tilespmem:$0x19000] =	vst v63  }
0x54: {  	_ =	swait.ge [sflag:s29], $0xC000  }
0x55: {  	[sflag:s29] =	ssyncset.done $0x0  }
0x56: {  	s0 =	rddreg [dreg:$0x8];
	[sflag:s29] =	ssyncadd.s32 $0xFFFF4000  }
0x57: {  	[hbm4b:s0+s3] =	stream.linear.scatter [tilespmem:s26], [sflag:$0x3], $0xC000, $0x38;
	[tilespmem:$0x19000] =	vst v63  }
0x58: {  	_ =	swait.ge [sflag:s30], $0xC000  }
0x59: {  	[sflag:s30] =	ssyncset.done $0x0  }
0x5a: {  	[sflag:s30] =	ssyncadd.s32 $0xFFFF4000  }
0x5b: {  	v1 =	vld.msk [tilespmem:$0x300], $0xff;
	_ =	sdelay $0x4  }
0x5c: {  	v1 =	vmul.u32 $0x1800, v1;
	_ =	sdelay $0x1  }
0x5d: {  	v1 =	vperm.xlane v1, v0;
	_ =	sdelay $0x5  }
0x5e: {  	[tilespmem:s26], [sflag:$0x1] =	stream.indirect_vreg.gather [hbm4b:s1+s3], $0x1800, v1, vm0, $0x38;
	[tilespmem:$0x19000] =	vst v63  }
0x5f: {  	_ =	swait.ge [sflag:s31], $0xC000  }
0x60: {  	[sflag:s31] =	ssyncset.done $0x0  }
0x61: {  	s0 =	rddreg [dreg:$0x9];
	[sflag:s31] =	ssyncadd.s32 $0xFFFF4000  }
0x62: {  	[hbm4b:s0+s3] =	stream.linear.scatter [tilespmem:s28], [sflag:$0x4], $0xC000, $0x38;
	[tilespmem:$0x19000] =	vst v63  }
0x63: {  	_ =	swait.ge [sflag:s2], $0xC000  }
0x64: {  	[sflag:s2] =	ssyncset.done $0x0  }
0x65: {  	[sflag:s2] =	ssyncadd.s32 $0xFFFF4000  }
0x66: {  	v1 =	vld.msk [tilespmem:$0x380], $0xff;
	_ =	sdelay $0x4  }
0x67: {  	v1 =	vmul.u32 $0x1800, v1;
	_ =	sdelay $0x1  }
0x68: {  	v1 =	vperm.xlane v1, v0;
	_ =	sdelay $0x5  }
0x69: {  	[tilespmem:s28], [sflag:$0x2] =	stream.indirect_vreg.gather [hbm4b:s1+s3], $0x1800, v1, vm0, $0x38;
	[tilespmem:$0x19000] =	vst v63  }
0x6a: {  	_ =	swait.ge [sflag:s29], $0xC000  }
0x6b: {  	[sflag:s29] =	ssyncset.done $0x0  }
0x6c: {  	s0 =	rddreg [dreg:$0xa];
	[sflag:s29] =	ssyncadd.s32 $0xFFFF4000  }
0x6d: {  	[hbm4b:s0+s3] =	stream.linear.scatter [tilespmem:s26], [sflag:$0x3], $0xC000, $0x38;
	[tilespmem:$0x19000] =	vst v63  }
0x6e: {  	_ =	swait.ge [sflag:s30], $0xC000  }
0x6f: {  	[sflag:s30] =	ssyncset.done $0x0  }
0x70: {  	[sflag:s30] =	ssyncadd.s32 $0xFFFF4000  }
0x71: {  	v1 =	vld.msk [tilespmem:$0x400], $0xff;
	_ =	sdelay $0x4  }
0x72: {  	v1 =	vmul.u32 $0x1800, v1;
	_ =	sdelay $0x1  }
0x73: {  	v1 =	vperm.xlane v1, v0;
	_ =	sdelay $0x5  }
0x74: {  	[tilespmem:s26], [sflag:$0x1] =	stream.indirect_vreg.gather [hbm4b:s1+s3], $0x1800, v1, vm0, $0x38;
	[tilespmem:$0x19000] =	vst v63  }
0x75: {  	_ =	swait.ge [sflag:s31], $0xC000  }
0x76: {  	[sflag:s31] =	ssyncset.done $0x0  }
0x77: {  	s0 =	rddreg [dreg:$0xb];
	[sflag:s31] =	ssyncadd.s32 $0xFFFF4000  }
0x78: {  	[hbm4b:s0+s3] =	stream.linear.scatter [tilespmem:s28], [sflag:$0x4], $0xC000, $0x38;
	[tilespmem:$0x19000] =	vst v63  }
0x79: {  	_ =	swait.ge [sflag:s2], $0xC000  }
0x7a: {  	[sflag:s2] =	ssyncset.done $0x0  }
0x7b: {  	[sflag:s2] =	ssyncadd.s32 $0xFFFF4000  }
0x7c: {  	v1 =	vld.msk [tilespmem:$0x480], $0xff;
	_ =	sdelay $0x4  }
0x7d: {  	v1 =	vmul.u32 $0x1800, v1;
	_ =	sdelay $0x1  }
0x7e: {  	v1 =	vperm.xlane v1, v0;
	_ =	sdelay $0x5  }
0x7f: {  	[tilespmem:s28], [sflag:$0x2] =	stream.indirect_vreg.gather [hbm4b:s1+s3], $0x1800, v1, vm0, $0x38;
	[tilespmem:$0x19000] =	vst v63  }
0x80: {  	_ =	swait.ge [sflag:s29], $0xC000  }
0x81: {  	[sflag:s29] =	ssyncset.done $0x0  }
0x82: {  	s0 =	rddreg [dreg:$0xc];
	[sflag:s29] =	ssyncadd.s32 $0xFFFF4000  }
0x83: {  	[hbm4b:s0+s3] =	stream.linear.scatter [tilespmem:s26], [sflag:$0x3], $0xC000, $0x38;
	[tilespmem:$0x19000] =	vst v63  }
0x84: {  	_ =	swait.ge [sflag:s30], $0xC000  }
0x85: {  	[sflag:s30] =	ssyncset.done $0x0  }
0x86: {  	[sflag:s30] =	ssyncadd.s32 $0xFFFF4000  }
0x87: {  	v1 =	vld.msk [tilespmem:$0x500], $0xff;
	_ =	sdelay $0x4  }
0x88: {  	v1 =	vmul.u32 $0x1800, v1;
	_ =	sdelay $0x1  }
0x89: {  	v1 =	vperm.xlane v1, v0;
	_ =	sdelay $0x5  }
0x8a: {  	[tilespmem:s26], [sflag:$0x1] =	stream.indirect_vreg.gather [hbm4b:s1+s3], $0x1800, v1, vm0, $0x38;
	[tilespmem:$0x19000] =	vst v63  }
0x8b: {  	_ =	swait.ge [sflag:s31], $0xC000  }
0x8c: {  	[sflag:s31] =	ssyncset.done $0x0  }
0x8d: {  	s0 =	rddreg [dreg:$0xd];
	[sflag:s31] =	ssyncadd.s32 $0xFFFF4000  }
0x8e: {  	[hbm4b:s0+s3] =	stream.linear.scatter [tilespmem:s28], [sflag:$0x4], $0xC000, $0x38;
	[tilespmem:$0x19000] =	vst v63  }
0x8f: {  	_ =	swait.ge [sflag:s2], $0xC000  }
0x90: {  	[sflag:s2] =	ssyncset.done $0x0  }
0x91: {  	[sflag:s2] =	ssyncadd.s32 $0xFFFF4000  }
0x92: {  	v1 =	vld.msk [tilespmem:$0x580], $0xff;
	_ =	sdelay $0x4  }
0x93: {  	v1 =	vmul.u32 $0x1800, v1;
	_ =	sdelay $0x1  }
0x94: {  	v1 =	vperm.xlane v1, v0;
	_ =	sdelay $0x5  }
0x95: {  	[tilespmem:s28], [sflag:$0x2] =	stream.indirect_vreg.gather [hbm4b:s1+s3], $0x1800, v1, vm0, $0x38;
	[tilespmem:$0x19000] =	vst v63  }
0x96: {  	_ =	swait.ge [sflag:s29], $0xC000  }
0x97: {  	[sflag:s29] =	ssyncset.done $0x0  }
0x98: {  	s0 =	rddreg [dreg:$0xe];
	[sflag:s29] =	ssyncadd.s32 $0xFFFF4000  }
0x99: {  	[hbm4b:s0+s3] =	stream.linear.scatter [tilespmem:s26], [sflag:$0x3], $0xC000, $0x38;
	[tilespmem:$0x19000] =	vst v63  }
0x9a: {  	_ =	swait.ge [sflag:s30], $0xC000  }
0x9b: {  	[sflag:s30] =	ssyncset.done $0x0  }
0x9c: {  	[sflag:s30] =	ssyncadd.s32 $0xFFFF4000  }
0x9d: {  	v1 =	vld.msk [tilespmem:$0x600], $0xff;
	_ =	sdelay $0x4  }
0x9e: {  	v1 =	vmul.u32 $0x1800, v1;
	_ =	sdelay $0x1  }
0x9f: {  	v1 =	vperm.xlane v1, v0;
	_ =	sdelay $0x5  }
0xa0: {  	[tilespmem:s26], [sflag:$0x1] =	stream.indirect_vreg.gather [hbm4b:s1+s3], $0x1800, v1, vm0, $0x38;
	[tilespmem:$0x19000] =	vst v63  }
0xa1: {  	_ =	swait.ge [sflag:s31], $0xC000  }
0xa2: {  	[sflag:s31] =	ssyncset.done $0x0  }
0xa3: {  	s0 =	rddreg [dreg:$0xf];
	[sflag:s31] =	ssyncadd.s32 $0xFFFF4000  }
0xa4: {  	[hbm4b:s0+s3] =	stream.linear.scatter [tilespmem:s28], [sflag:$0x4], $0xC000, $0x38;
	[tilespmem:$0x19000] =	vst v63  }
0xa5: {  	_ =	swait.ge [sflag:s2], $0xC000  }
0xa6: {  	[sflag:s2] =	ssyncset.done $0x0  }
0xa7: {  	[sflag:s2] =	ssyncadd.s32 $0xFFFF4000  }
0xa8: {  	v1 =	vld.msk [tilespmem:$0x680], $0xff;
	_ =	sdelay $0x4  }
0xa9: {  	v1 =	vmul.u32 $0x1800, v1;
	_ =	sdelay $0x1  }
0xaa: {  	v1 =	vperm.xlane v1, v0;
	_ =	sdelay $0x5  }
0xab: {  	[tilespmem:s28], [sflag:$0x2] =	stream.indirect_vreg.gather [hbm4b:s1+s3], $0x1800, v1, vm0, $0x38;
	[tilespmem:$0x19000] =	vst v63  }
0xac: {  	_ =	swait.ge [sflag:s29], $0xC000  }
0xad: {  	[sflag:s29] =	ssyncset.done $0x0  }
0xae: {  	s0 =	rddreg [dreg:$0x10];
	[sflag:s29] =	ssyncadd.s32 $0xFFFF4000  }
0xaf: {  	[hbm4b:s0+s3] =	stream.linear.scatter [tilespmem:s26], [sflag:$0x3], $0xC000, $0x38;
	[tilespmem:$0x19000] =	vst v63  }
0xb0: {  	_ =	swait.ge [sflag:s30], $0xC000  }
0xb1: {  	[sflag:s30] =	ssyncset.done $0x0  }
0xb2: {  	[sflag:s30] =	ssyncadd.s32 $0xFFFF4000  }
0xb3: {  	v1 =	vld.msk [tilespmem:$0x700], $0xff;
	_ =	sdelay $0x4  }
0xb4: {  	v1 =	vmul.u32 $0x1800, v1;
	_ =	sdelay $0x1  }
0xb5: {  	v1 =	vperm.xlane v1, v0;
	_ =	sdelay $0x5  }
0xb6: {  	[tilespmem:s26], [sflag:$0x1] =	stream.indirect_vreg.gather [hbm4b:s1+s3], $0x1800, v1, vm0, $0x38;
	[tilespmem:$0x19000] =	vst v63  }
0xb7: {  	_ =	swait.ge [sflag:s31], $0xC000  }
0xb8: {  	[sflag:s31] =	ssyncset.done $0x0  }
0xb9: {  	[sflag:s31] =	ssyncadd.s32 $0xFFFF4000  }
0xba: {  	[hbm4b:s5+s3] =	stream.linear.scatter [tilespmem:s28], [sflag:$0x4], $0xC000, $0x38;
	[tilespmem:$0x19000] =	vst v63  }
0xbb: {  	_ =	swait.ge [sflag:s2], $0xC000  }
0xbc: {  	[sflag:s2] =	ssyncset.done $0x0  }
0xbd: {  	[sflag:s2] =	ssyncadd.s32 $0xFFFF4000  }
0xbe: {  	v1 =	vld.msk [tilespmem:$0x780], $0xff;
	_ =	sdelay $0x4  }
0xbf: {  	v1 =	vmul.u32 $0x1800, v1;
	_ =	sdelay $0x1  }
0xc0: {  	v1 =	vperm.xlane v1, v0;
	_ =	sdelay $0x5  }
0xc1: {  	[tilespmem:s28], [sflag:$0x2] =	stream.indirect_vreg.gather [hbm4b:s1+s3], $0x1800, v1, vm0, $0x38;
	[tilespmem:$0x19000] =	vst v63  }
0xc2: {  	_ =	swait.ge [sflag:s29], $0xC000  }
0xc3: {  	[sflag:s29] =	ssyncset.done $0x0  }
0xc4: {  	[sflag:s29] =	ssyncadd.s32 $0xFFFF4000  }
0xc5: {  	[hbm4b:s6+s3] =	stream.linear.scatter [tilespmem:s26], [sflag:$0x3], $0xC000, $0x38;
	[tilespmem:$0x19000] =	vst v63  }
0xc6: {  	_ =	swait.ge [sflag:s30], $0xC000  }
0xc7: {  	[sflag:s30] =	ssyncset.done $0x0  }
0xc8: {  	[sflag:s30] =	ssyncadd.s32 $0xFFFF4000  }
0xc9: {  	v1 =	vld.msk [tilespmem:$0x800], $0xff;
	_ =	sdelay $0x4  }
0xca: {  	v1 =	vmul.u32 $0x1800, v1;
	_ =	sdelay $0x1  }
0xcb: {  	v1 =	vperm.xlane v1, v0;
	_ =	sdelay $0x5  }
0xcc: {  	[tilespmem:s26], [sflag:$0x1] =	stream.indirect_vreg.gather [hbm4b:s1+s3], $0x1800, v1, vm0, $0x38;
	[tilespmem:$0x19000] =	vst v63  }
0xcd: {  	_ =	swait.ge [sflag:s31], $0xC000  }
0xce: {  	[sflag:s31] =	ssyncset.done $0x0  }
0xcf: {  	[sflag:s31] =	ssyncadd.s32 $0xFFFF4000  }
0xd0: {  	[hbm4b:s7+s3] =	stream.linear.scatter [tilespmem:s28], [sflag:$0x4], $0xC000, $0x38;
	[tilespmem:$0x19000] =	vst v63  }
0xd1: {  	_ =	swait.ge [sflag:s2], $0xC000  }
0xd2: {  	[sflag:s2] =	ssyncset.done $0x0  }
0xd3: {  	[sflag:s2] =	ssyncadd.s32 $0xFFFF4000  }
0xd4: {  	v1 =	vld.msk [tilespmem:$0x880], $0xff;
	_ =	sdelay $0x4  }
0xd5: {  	v1 =	vmul.u32 $0x1800, v1;
	_ =	sdelay $0x1  }
0xd6: {  	v1 =	vperm.xlane v1, v0;
	_ =	sdelay $0x5  }
0xd7: {  	[tilespmem:s28], [sflag:$0x2] =	stream.indirect_vreg.gather [hbm4b:s1+s3], $0x1800, v1, vm0, $0x38;
	[tilespmem:$0x19000] =	vst v63  }
0xd8: {  	_ =	swait.ge [sflag:s29], $0xC000  }
0xd9: {  	[sflag:s29] =	ssyncset.done $0x0  }
0xda: {  	[sflag:s29] =	ssyncadd.s32 $0xFFFF4000  }
0xdb: {  	[hbm4b:s8+s3] =	stream.linear.scatter [tilespmem:s26], [sflag:$0x3], $0xC000, $0x38;
	[tilespmem:$0x19000] =	vst v63  }
0xdc: {  	_ =	swait.ge [sflag:s30], $0xC000  }
0xdd: {  	[sflag:s30] =	ssyncset.done $0x0  }
0xde: {  	[sflag:s30] =	ssyncadd.s32 $0xFFFF4000  }
0xdf: {  	v1 =	vld.msk [tilespmem:$0x900], $0xff;
	_ =	sdelay $0x4  }
0xe0: {  	v1 =	vmul.u32 $0x1800, v1;
	_ =	sdelay $0x1  }
0xe1: {  	v1 =	vperm.xlane v1, v0;
	_ =	sdelay $0x5  }
0xe2: {  	[tilespmem:s26], [sflag:$0x1] =	stream.indirect_vreg.gather [hbm4b:s1+s3], $0x1800, v1, vm0, $0x38;
	[tilespmem:$0x19000] =	vst v63  }
0xe3: {  	_ =	swait.ge [sflag:s31], $0xC000  }
0xe4: {  	[sflag:s31] =	ssyncset.done $0x0  }
0xe5: {  	[sflag:s31] =	ssyncadd.s32 $0xFFFF4000  }
0xe6: {  	[hbm4b:s9+s3] =	stream.linear.scatter [tilespmem:s28], [sflag:$0x4], $0xC000, $0x38;
	[tilespmem:$0x19000] =	vst v63  }
0xe7: {  	_ =	swait.ge [sflag:s2], $0xC000  }
0xe8: {  	[sflag:s2] =	ssyncset.done $0x0  }
0xe9: {  	[sflag:s2] =	ssyncadd.s32 $0xFFFF4000  }
0xea: {  	v1 =	vld.msk [tilespmem:$0x980], $0xff;
	_ =	sdelay $0x4  }
0xeb: {  	v1 =	vmul.u32 $0x1800, v1;
	_ =	sdelay $0x1  }
0xec: {  	v1 =	vperm.xlane v1, v0;
	_ =	sdelay $0x5  }
0xed: {  	[tilespmem:s28], [sflag:$0x2] =	stream.indirect_vreg.gather [hbm4b:s1+s3], $0x1800, v1, vm0, $0x38;
	[tilespmem:$0x19000] =	vst v63  }
0xee: {  	_ =	swait.ge [sflag:s29], $0xC000  }
0xef: {  	[sflag:s29] =	ssyncset.done $0x0  }
0xf0: {  	[sflag:s29] =	ssyncadd.s32 $0xFFFF4000  }
0xf1: {  	[hbm4b:s10+s3] =	stream.linear.scatter [tilespmem:s26], [sflag:$0x3], $0xC000, $0x38;
	[tilespmem:$0x19000] =	vst v63  }
0xf2: {  	_ =	swait.ge [sflag:s30], $0xC000  }
0xf3: {  	[sflag:s30] =	ssyncset.done $0x0  }
0xf4: {  	[sflag:s30] =	ssyncadd.s32 $0xFFFF4000  }
0xf5: {  	v1 =	vld.msk [tilespmem:$0xA00], $0xff;
	_ =	sdelay $0x4  }
0xf6: {  	v1 =	vmul.u32 $0x1800, v1;
	_ =	sdelay $0x1  }
0xf7: {  	v1 =	vperm.xlane v1, v0;
	_ =	sdelay $0x5  }
0xf8: {  	[tilespmem:s26], [sflag:$0x1] =	stream.indirect_vreg.gather [hbm4b:s1+s3], $0x1800, v1, vm0, $0x38;
	[tilespmem:$0x19000] =	vst v63  }
0xf9: {  	_ =	swait.ge [sflag:s31], $0xC000  }
0xfa: {  	[sflag:s31] =	ssyncset.done $0x0  }
0xfb: {  	[sflag:s31] =	ssyncadd.s32 $0xFFFF4000  }
0xfc: {  	[hbm4b:s11+s3] =	stream.linear.scatter [tilespmem:s28], [sflag:$0x4], $0xC000, $0x38;
	[tilespmem:$0x19000] =	vst v63  }
0xfd: {  	_ =	swait.ge [sflag:s2], $0xC000  }
0xfe: {  	[sflag:s2] =	ssyncset.done $0x0  }
0xff: {  	[sflag:s2] =	ssyncadd.s32 $0xFFFF4000  }
0x100: {  	v1 =	vld.msk [tilespmem:$0xA80], $0xff;
	_ =	sdelay $0x4  }
0x101: {  	v1 =	vmul.u32 $0x1800, v1;
	_ =	sdelay $0x1  }
0x102: {  	v1 =	vperm.xlane v1, v0;
	_ =	sdelay $0x5  }
0x103: {  	[tilespmem:s28], [sflag:$0x2] =	stream.indirect_vreg.gather [hbm4b:s1+s3], $0x1800, v1, vm0, $0x38;
	[tilespmem:$0x19000] =	vst v63  }
0x104: {  	_ =	swait.ge [sflag:s29], $0xC000  }
0x105: {  	[sflag:s29] =	ssyncset.done $0x0  }
0x106: {  	[sflag:s29] =	ssyncadd.s32 $0xFFFF4000  }
0x107: {  	[hbm4b:s12+s3] =	stream.linear.scatter [tilespmem:s26], [sflag:$0x3], $0xC000, $0x38;
	[tilespmem:$0x19000] =	vst v63  }
0x108: {  	_ =	swait.ge [sflag:s30], $0xC000  }
0x109: {  	[sflag:s30] =	ssyncset.done $0x0  }
0x10a: {  	[sflag:s30] =	ssyncadd.s32 $0xFFFF4000  }
0x10b: {  	v1 =	vld.msk [tilespmem:$0xB00], $0xff;
	_ =	sdelay $0x4  }
0x10c: {  	v1 =	vmul.u32 $0x1800, v1;
	_ =	sdelay $0x1  }
0x10d: {  	v1 =	vperm.xlane v1, v0;
	_ =	sdelay $0x5  }
0x10e: {  	[tilespmem:s26], [sflag:$0x1] =	stream.indirect_vreg.gather [hbm4b:s1+s3], $0x1800, v1, vm0, $0x38;
	[tilespmem:$0x19000] =	vst v63  }
0x10f: {  	_ =	swait.ge [sflag:s31], $0xC000  }
0x110: {  	[sflag:s31] =	ssyncset.done $0x0  }
0x111: {  	[sflag:s31] =	ssyncadd.s32 $0xFFFF4000  }
0x112: {  	[hbm4b:s13+s3] =	stream.linear.scatter [tilespmem:s28], [sflag:$0x4], $0xC000, $0x38;
	[tilespmem:$0x19000] =	vst v63  }
0x113: {  	_ =	swait.ge [sflag:s2], $0xC000  }
0x114: {  	[sflag:s2] =	ssyncset.done $0x0  }
0x115: {  	[sflag:s2] =	ssyncadd.s32 $0xFFFF4000  }
0x116: {  	v1 =	vld.msk [tilespmem:$0xB80], $0xff;
	_ =	sdelay $0x4  }
0x117: {  	v1 =	vmul.u32 $0x1800, v1;
	_ =	sdelay $0x1  }
0x118: {  	v1 =	vperm.xlane v1, v0;
	_ =	sdelay $0x5  }
0x119: {  	[tilespmem:s28], [sflag:$0x2] =	stream.indirect_vreg.gather [hbm4b:s1+s3], $0x1800, v1, vm0, $0x38;
	[tilespmem:$0x19000] =	vst v63  }
0x11a: {  	_ =	swait.ge [sflag:s29], $0xC000  }
0x11b: {  	[sflag:s29] =	ssyncset.done $0x0  }
0x11c: {  	[sflag:s29] =	ssyncadd.s32 $0xFFFF4000  }
0x11d: {  	[hbm4b:s14+s3] =	stream.linear.scatter [tilespmem:s26], [sflag:$0x3], $0xC000, $0x38;
	[tilespmem:$0x19000] =	vst v63  }
0x11e: {  	_ =	swait.ge [sflag:s30], $0xC000  }
0x11f: {  	[sflag:s30] =	ssyncset.done $0x0  }
0x120: {  	[sflag:s30] =	ssyncadd.s32 $0xFFFF4000  }
0x121: {  	v1 =	vld.msk [tilespmem:$0xC00], $0xff;
	_ =	sdelay $0x4  }
0x122: {  	v1 =	vmul.u32 $0x1800, v1;
	_ =	sdelay $0x1  }
0x123: {  	v1 =	vperm.xlane v1, v0;
	_ =	sdelay $0x5  }
0x124: {  	[tilespmem:s26], [sflag:$0x1] =	stream.indirect_vreg.gather [hbm4b:s1+s3], $0x1800, v1, vm0, $0x38;
	[tilespmem:$0x19000] =	vst v63  }
0x125: {  	_ =	swait.ge [sflag:s31], $0xC000  }
0x126: {  	[sflag:s31] =	ssyncset.done $0x0  }
0x127: {  	[sflag:s31] =	ssyncadd.s32 $0xFFFF4000  }
0x128: {  	[hbm4b:s15+s3] =	stream.linear.scatter [tilespmem:s28], [sflag:$0x4], $0xC000, $0x38;
	[tilespmem:$0x19000] =	vst v63  }
0x129: {  	_ =	swait.ge [sflag:s2], $0xC000  }
0x12a: {  	[sflag:s2] =	ssyncset.done $0x0  }
0x12b: {  	[sflag:s2] =	ssyncadd.s32 $0xFFFF4000  }
0x12c: {  	v1 =	vld.msk [tilespmem:$0xC80], $0xff;
	_ =	sdelay $0x4  }
0x12d: {  	v1 =	vmul.u32 $0x1800, v1;
	_ =	sdelay $0x1  }
0x12e: {  	v1 =	vperm.xlane v1, v0;
	_ =	sdelay $0x5  }
0x12f: {  	[tilespmem:s28], [sflag:$0x2] =	stream.indirect_vreg.gather [hbm4b:s1+s3], $0x1800, v1, vm0, $0x38;
	[tilespmem:$0x19000] =	vst v63  }
0x130: {  	_ =	swait.ge [sflag:s29], $0xC000  }
0x131: {  	[sflag:s29] =	ssyncset.done $0x0  }
0x132: {  	[sflag:s29] =	ssyncadd.s32 $0xFFFF4000  }
0x133: {  	[hbm4b:s16+s3] =	stream.linear.scatter [tilespmem:s26], [sflag:$0x3], $0xC000, $0x38;
	[tilespmem:$0x19000] =	vst v63  }
0x134: {  	_ =	swait.ge [sflag:s30], $0xC000  }
0x135: {  	[sflag:s30] =	ssyncset.done $0x0  }
0x136: {  	[sflag:s30] =	ssyncadd.s32 $0xFFFF4000  }
0x137: {  	v1 =	vld.msk [tilespmem:$0xD00], $0xff;
	_ =	sdelay $0x4  }
0x138: {  	v1 =	vmul.u32 $0x1800, v1;
	_ =	sdelay $0x1  }
0x139: {  	v1 =	vperm.xlane v1, v0;
	_ =	sdelay $0x5  }
0x13a: {  	[tilespmem:s26], [sflag:$0x1] =	stream.indirect_vreg.gather [hbm4b:s1+s3], $0x1800, v1, vm0, $0x38;
	[tilespmem:$0x19000] =	vst v63  }
0x13b: {  	_ =	swait.ge [sflag:s31], $0xC000  }
0x13c: {  	[sflag:s31] =	ssyncset.done $0x0  }
0x13d: {  	[sflag:s31] =	ssyncadd.s32 $0xFFFF4000  }
0x13e: {  	[hbm4b:s17+s3] =	stream.linear.scatter [tilespmem:s28], [sflag:$0x4], $0xC000, $0x38;
	[tilespmem:$0x19000] =	vst v63  }
0x13f: {  	_ =	swait.ge [sflag:s2], $0xC000  }
0x140: {  	[sflag:s2] =	ssyncset.done $0x0  }
0x141: {  	[sflag:s2] =	ssyncadd.s32 $0xFFFF4000  }
0x142: {  	v1 =	vld.msk [tilespmem:$0xD80], $0xff;
	_ =	sdelay $0x4  }
0x143: {  	v1 =	vmul.u32 $0x1800, v1;
	_ =	sdelay $0x1  }
0x144: {  	v1 =	vperm.xlane v1, v0;
	_ =	sdelay $0x5  }
0x145: {  	[tilespmem:s28], [sflag:$0x2] =	stream.indirect_vreg.gather [hbm4b:s1+s3], $0x1800, v1, vm0, $0x38;
	[tilespmem:$0x19000] =	vst v63  }
0x146: {  	_ =	swait.ge [sflag:s29], $0xC000  }
0x147: {  	[sflag:s29] =	ssyncset.done $0x0  }
0x148: {  	[sflag:s29] =	ssyncadd.s32 $0xFFFF4000  }
0x149: {  	[hbm4b:s18+s3] =	stream.linear.scatter [tilespmem:s26], [sflag:$0x3], $0xC000, $0x38;
	[tilespmem:$0x19000] =	vst v63  }
0x14a: {  	_ =	swait.ge [sflag:s30], $0xC000  }
0x14b: {  	[sflag:s30] =	ssyncset.done $0x0  }
0x14c: {  	[sflag:s30] =	ssyncadd.s32 $0xFFFF4000  }
0x14d: {  	v1 =	vld.msk [tilespmem:$0xE00], $0xff;
	_ =	sdelay $0x4  }
0x14e: {  	v1 =	vmul.u32 $0x1800, v1;
	_ =	sdelay $0x1  }
0x14f: {  	v1 =	vperm.xlane v1, v0;
	_ =	sdelay $0x5  }
0x150: {  	[tilespmem:s26], [sflag:$0x1] =	stream.indirect_vreg.gather [hbm4b:s1+s3], $0x1800, v1, vm0, $0x38;
	[tilespmem:$0x19000] =	vst v63  }
0x151: {  	_ =	swait.ge [sflag:s31], $0xC000  }
0x152: {  	[sflag:s31] =	ssyncset.done $0x0  }
0x153: {  	[sflag:s31] =	ssyncadd.s32 $0xFFFF4000  }
0x154: {  	[hbm4b:s19+s3] =	stream.linear.scatter [tilespmem:s28], [sflag:$0x4], $0xC000, $0x38;
	[tilespmem:$0x19000] =	vst v63  }
0x155: {  	_ =	swait.ge [sflag:s2], $0xC000  }
0x156: {  	[sflag:s2] =	ssyncset.done $0x0  }
0x157: {  	[sflag:s2] =	ssyncadd.s32 $0xFFFF4000  }
0x158: {  	v1 =	vld.msk [tilespmem:$0xE80], $0xff;
	_ =	sdelay $0x4  }
0x159: {  	v1 =	vmul.u32 $0x1800, v1;
	_ =	sdelay $0x1  }
0x15a: {  	v1 =	vperm.xlane v1, v0;
	_ =	sdelay $0x5  }
0x15b: {  	[tilespmem:s28], [sflag:$0x2] =	stream.indirect_vreg.gather [hbm4b:s1+s3], $0x1800, v1, vm0, $0x38;
	[tilespmem:$0x19000] =	vst v63  }
0x15c: {  	_ =	swait.ge [sflag:s29], $0xC000  }
0x15d: {  	[sflag:s29] =	ssyncset.done $0x0  }
0x15e: {  	[sflag:s29] =	ssyncadd.s32 $0xFFFF4000  }
0x15f: {  	[hbm4b:s20+s3] =	stream.linear.scatter [tilespmem:s26], [sflag:$0x3], $0xC000, $0x38;
	[tilespmem:$0x19000] =	vst v63  }
0x160: {  	_ =	swait.ge [sflag:s30], $0xC000  }
0x161: {  	[sflag:s30] =	ssyncset.done $0x0  }
0x162: {  	[sflag:s30] =	ssyncadd.s32 $0xFFFF4000  }
0x163: {  	v1 =	vld.msk [tilespmem:$0xF00], $0xff;
	_ =	sdelay $0x4  }
0x164: {  	v1 =	vmul.u32 $0x1800, v1;
	_ =	sdelay $0x1  }
0x165: {  	v1 =	vperm.xlane v1, v0;
	_ =	sdelay $0x5  }
0x166: {  	[tilespmem:s26], [sflag:$0x1] =	stream.indirect_vreg.gather [hbm4b:s1+s3], $0x1800, v1, vm0, $0x38;
	[tilespmem:$0x19000] =	vst v63  }
0x167: {  	_ =	swait.ge [sflag:s31], $0xC000  }
0x168: {  	[sflag:s31] =	ssyncset.done $0x0  }
0x169: {  	[sflag:s31] =	ssyncadd.s32 $0xFFFF4000  }
0x16a: {  	[hbm4b:s21+s3] =	stream.linear.scatter [tilespmem:s28], [sflag:$0x4], $0xC000, $0x38;
	[tilespmem:$0x19000] =	vst v63  }
0x16b: {  	_ =	swait.ge [sflag:s2], $0xC000  }
0x16c: {  	[sflag:s2] =	ssyncset.done $0x0  }
0x16d: {  	[sflag:s2] =	ssyncadd.s32 $0xFFFF4000  }
0x16e: {  	v1 =	vld.msk [tilespmem:$0xF80], $0xff;
	_ =	sdelay $0x4  }
0x16f: {  	v1 =	vmul.u32 $0x1800, v1;
	_ =	sdelay $0x1  }
0x170: {  	v1 =	vperm.xlane v1, v0;
	_ =	sdelay $0x5  }
0x171: {  	[tilespmem:s28], [sflag:$0x2] =	stream.indirect_vreg.gather [hbm4b:s1+s3], $0x1800, v1, vm0, $0x38;
	[tilespmem:$0x19000] =	vst v63  }
0x172: {  	_ =	swait.ge [sflag:s29], $0xC000  }
0x173: {  	[sflag:s29] =	ssyncset.done $0x0  }
0x174: {  	[sflag:s29] =	ssyncadd.s32 $0xFFFF4000  }
0x175: {  	[hbm4b:s22+s3] =	stream.linear.scatter [tilespmem:s26], [sflag:$0x3], $0xC000, $0x38;
	[tilespmem:$0x19000] =	vst v63  }
0x176: {  	_ =	swait.ge [sflag:s31], $0xC000  }
0x177: {  	[sflag:s31] =	ssyncset.done $0x0  }
0x178: {  	[sflag:s31] =	ssyncadd.s32 $0xFFFF4000  }
0x179: {  	[hbm4b:s23+s3] =	stream.linear.scatter [tilespmem:s28], [sflag:$0x4], $0xC000, $0x38;
	[tilespmem:$0x19000] =	vst v63  }
0x17a: {  	p0 =	sne.s32 s24, $0x1;
	_ =	swait.ge [sflag:s30], $0xC000  }
.Ltmp0:
0x17b: {  	[sflag:s30] =	ssyncset.done $0x0;
	(pc) =	sbr.rel @p0 .LBB2_1-.Ltmp0, $4  }
0x17c: {  	[sflag:s30] =	ssyncadd.s32 $0xFFFF4000  }
0x17d: {  	_ =	swait.ge [sflag:s2], $0xC000  }
0x17e: {  	[sflag:s2] =	ssyncset.done $0x0  }
0x17f: {  	s24 =	sadd.s32 $0xFFFFFFFF, s24;
	[sflag:s2] =	ssyncadd.s32 $0xFFFF4000  }
0x180: {  	_ =	sfence.sel $0x180000  }
0x181: {  	[bflag:$0x0] =	sbarrier.arrive $0xFFFF  }
0x182: {  	_ =	strace $0x90000047  }
0x183: {  	s0 =	stileid.u32;
	[bflag:$0x2] =	sbarrier.arrive $0xFFFF  }
0x184: {  	p0 =	sne.s32 s0, $0x0;
	s0 =	rddreg [dreg:$0x3]  }
0x185: {  	s0 =	sadd.s32 @!p0 $0x100000, s0  }
0x186: {  	[sflag:s0] =	ssyncadd.tile.s32 @!p0 $0x1;
	_ =	shalt  }
.Lfunc_end2:
_tile_overlayer_lowered:
.L_overlay_start_2:
0x187: {  	(tag) =	ssettag $0x2  }
0x188: {  	s0 =	rddreg [dreg:$0x0];
	s2 =	stileid.u32  }
0x189: {  	s1 =	rddreg [dreg:$0x1];
	p0 =	sne.s32 s2, $0x0  }
0x18a: {  	s3 =	rddreg [dreg:$0x2];
	[bflag:$0x3] =	sbarrier.arrive $0xFFFF;
	s2 =	simm.s32 @!p0 $0x1C05  }
0x18b: {  	[timem:s3], [sflag:s2] =	dma.local @!p0 [hbm:s0], s1  }
0x18c: {  	s0 =	simm.s32 @!p0 $0x5  }
0x18d: {  	_ =	swait.ge @!p0 [sflag:s0], s1  }
0x18e: {  	s1 =	ssub.s32 @!p0 $0x0, s1;
	[sflag:s0] =	ssyncset.done @!p0 $0x0  }
0x18f: {  	[sflag:s0] =	ssyncadd.s32 @!p0 s1  }
0x190: {  	[bflag:$0x3] =	sbarrier.arrive $0xFFFF  }
0x191: {  	_ =	shalt  }

</sc_bundles>
